<compile_context>
chip_gen: v7x
topology: tpu7x:2x2x1
jax: 0.10.2.dev20260603
libtpu: 0.0.44.dev20260713+nightly
codegen_flags: <defaults>
</compile_context>

<pallas_src>
import functools

import jax
import jax.numpy as jnp
from jax import lax
from jax.experimental import pallas as pl
from jax.experimental.pallas import tpu as pltpu
from jax.experimental.pallas import tpu_sc as plsc

_B, _S, _D = 1, 2048, 768
_E, _K, _FFN = 8, 2, 1536
_T = _B * _S
_BLK = 256
_NB = (_K * _T + _E * (_BLK - 1) + _BLK - 1) // _BLK
_P = _NB * _BLK
_NW = 32
_TPW = _T // _NW


def _router_body(x_ref, rw_ref, rb_ref,
                 pos1_ref, pos2_ref, g1_ref, g2_ref, blke_ref, nblk_ref,
                 xcp_ref):
    xb = x_ref[...]
    xcp_ref[...] = xb
    logits = lax.dot_general(
        xb, rw_ref[...], (((1,), (1,)), ((), ())),
        preferred_element_type=jnp.float32) + rb_ref[...]
    m = jnp.max(logits, axis=-1, keepdims=True)
    p = jnp.exp(logits - m)
    p = p / jnp.sum(p, axis=-1, keepdims=True)
    ii = lax.broadcasted_iota(jnp.int32, (_T, _E), 1)
    v1 = jnp.max(p, axis=-1, keepdims=True)
    i1 = jnp.min(jnp.where(p == v1, ii, _E), axis=-1, keepdims=True)
    m1 = (ii == i1).astype(jnp.float32)
    pm = jnp.where(ii == i1, -1.0, p)
    v2 = jnp.max(pm, axis=-1, keepdims=True)
    i2 = jnp.min(jnp.where(pm == v2, ii, _E), axis=-1, keepdims=True)
    m2 = (ii == i2).astype(jnp.float32)
    s = v1 + v2 + 1e-9
    g1_ref[...] = v1 / s
    g2_ref[...] = v2 / s

    ri = lax.broadcasted_iota(jnp.int32, (_T, _T), 0)
    ci = lax.broadcasted_iota(jnp.int32, (_T, _T), 1)
    tril = (ci <= ri).astype(jnp.bfloat16)
    m12 = jnp.concatenate([m1, m2], axis=1).astype(jnp.bfloat16)
    c12 = lax.dot_general(tril, m12, (((1,), (0,)), ((), ())),
                          preferred_element_type=jnp.float32)
    c1 = c12[:, :_E]
    c2 = c12[:, _E:]
    counts1 = c1[_T - 1:_T, :]
    counts = counts1 + c2[_T - 1:_T, :]
    aligned = jnp.floor((counts + (_BLK - 1)) * (1.0 / _BLK)) * _BLK
    er = lax.broadcasted_iota(jnp.int32, (_E, _E), 0)
    ec = lax.broadcasted_iota(jnp.int32, (_E, _E), 1)
    off = lax.dot_general(aligned, (er < ec).astype(jnp.float32),
                          (((1,), (0,)), ((), ())),
                          preferred_element_type=jnp.float32)
    pos1 = jnp.sum(m1 * (off + c1 - 1.0), axis=-1, keepdims=True)
    pos2 = jnp.sum(m2 * (off + counts1 + c2 - 1.0), axis=-1, keepdims=True)
    pos1_ref[...] = pos1.astype(jnp.int32)
    pos2_ref[...] = pos2.astype(jnp.int32)

    ends_row = off + aligned
    eye = (lax.broadcasted_iota(jnp.int32, (_E, _E), 0) ==
           lax.broadcasted_iota(jnp.int32, (_E, _E), 1)).astype(jnp.float32)
    ends_col = jnp.sum(ends_row * eye, axis=-1, keepdims=True)
    bbase = lax.broadcasted_iota(
        jnp.int32, (_E, _NB), 1).astype(jnp.float32) * _BLK
    blke = jnp.sum((bbase >= ends_col).astype(jnp.float32), axis=0,
                   keepdims=True)
    blke_ref[...] = jnp.minimum(blke, _E - 1.0).astype(jnp.int32)
    nblk_ref[...] = (jnp.sum(aligned, axis=-1, keepdims=True)
                     * (1.0 / _BLK)).astype(jnp.int32)


def _slots_body(p1_ref, p2_ref, g1_ref, g2_ref, gs_ref):
    b = pl.program_id(0)
    s = (b * _BLK + lax.broadcasted_iota(jnp.int32, (_BLK, 1), 0))
    m1 = (p1_ref[...] == s).astype(jnp.float32)
    m2 = (p2_ref[...] == s).astype(jnp.float32)
    gs_ref[...] = jnp.sum(m1 * g1_ref[...] + m2 * g2_ref[...],
                          axis=-1, keepdims=True)


def _expert_body(be_ref, nb_ref, xs_ref, w1_ref, b1_ref, w2_ref, b2_ref,
                 we_ref, gs_ref, ys_ref):
    b = pl.program_id(0)

    @pl.when(b < nb_ref[0])
    def _():
        h = xs_ref[...] + we_ref[0]
        y = lax.dot_general(
            h, w1_ref[0], (((1,), (1,)), ((), ())),
            preferred_element_type=jnp.float32) + b1_ref[0]
        y = y * 0.5 * (1.0 + lax.erf(y * (2.0 ** -0.5)))
        z = lax.dot_general(
            y, w2_ref[0], (((1,), (1,)), ((), ())),
            preferred_element_type=jnp.float32)
        r = h + z + b2_ref[0]
        mu = jnp.mean(r, axis=-1, keepdims=True)
        var = jnp.mean((r - mu) ** 2, axis=-1, keepdims=True)
        eo = (r - mu) * lax.rsqrt(var + 1e-5)
        ys_ref[...] = eo * gs_ref[...]


def _pairsum_body(a_ref, b_ref, out_ref):
    out_ref[...] = a_ref[...] + b_ref[...]


@functools.lru_cache(maxsize=None)
def _sc_kernels():
    mesh = plsc.VectorSubcoreMesh(core_axis_name="c", subcore_axis_name="s")

    @functools.partial(
        pl.kernel,
        out_type=jax.ShapeDtypeStruct((_P, _D), jnp.float32),
        mesh=mesh,
        name="sc_dispatch_gather",
        scratch_types=[
            pltpu.VMEM((_TPW,), jnp.int32),
            pltpu.VMEM((_TPW,), jnp.int32),
            pltpu.VMEM((_TPW, _D), jnp.float32),
            pltpu.VMEM((_TPW, _D), jnp.float32),
            pltpu.SemaphoreType.DMA,
            pltpu.SemaphoreType.DMA,
            pltpu.SemaphoreType.DMA,
            pltpu.SemaphoreType.DMA,
        ],
    )
    def _dispatch(x_hbm, pos1_hbm, pos2_hbm, xs_hbm, idx_a, idx_b,
                  rows_a, rows_b, sga, sgb, swa, swb):
        wid = lax.axis_index("s") * 2 + lax.axis_index("c")
        base = wid * _TPW
        pltpu.sync_copy(pos1_hbm.at[pl.ds(base, _TPW)], idx_a)
        pltpu.sync_copy(pos2_hbm.at[pl.ds(base, _TPW)], idx_b)
        pltpu.sync_copy(x_hbm.at[pl.ds(base, _TPW)], rows_a)
        wa = pltpu.async_copy(rows_a, xs_hbm.at[idx_a], swa)
        wb = pltpu.async_copy(rows_a, xs_hbm.at[idx_b], swb)
        wa.wait()
        wb.wait()

    @functools.partial(
        pl.kernel,
        out_type=[
            jax.ShapeDtypeStruct((_T, _D), jnp.float32),
            jax.ShapeDtypeStruct((_T, _D), jnp.float32),
        ],
        mesh=mesh,
        name="sc_combine_gather",
        scratch_types=[
            pltpu.VMEM((_TPW,), jnp.int32),
            pltpu.VMEM((_TPW,), jnp.int32),
            pltpu.VMEM((_TPW, _D), jnp.float32),
            pltpu.VMEM((_TPW, _D), jnp.float32),
            pltpu.SemaphoreType.DMA,
            pltpu.SemaphoreType.DMA,
            pltpu.SemaphoreType.DMA,
            pltpu.SemaphoreType.DMA,
        ],
    )
    def _combine(ys_hbm, pos1_hbm, pos2_hbm, out1_hbm, out2_hbm, idx1_v,
                 idx2_v, rows1_v, rows2_v, sg1, sg2, sw1, sw2):
        wid = lax.axis_index("s") * 2 + lax.axis_index("c")
        tbase = wid * _TPW
        pltpu.sync_copy(pos1_hbm.at[pl.ds(tbase, _TPW)], idx1_v)
        pltpu.sync_copy(pos2_hbm.at[pl.ds(tbase, _TPW)], idx2_v)
        g1 = pltpu.async_copy(ys_hbm.at[idx1_v], rows1_v, sg1)
        g2 = pltpu.async_copy(ys_hbm.at[idx2_v], rows2_v, sg2)
        g1.wait()
        w1 = pltpu.async_copy(rows1_v, out1_hbm.at[pl.ds(tbase, _TPW)],
                              sw1)
        g2.wait()
        w2 = pltpu.async_copy(rows2_v, out2_hbm.at[pl.ds(tbase, _TPW)],
                              sw2)
        w1.wait()
        w2.wait()

    return _dispatch, _combine


def kernel(x, router_w, router_b, w1, b1, w2, b2, width_emb):
    flat = x.reshape(_T, _D)
    pos1, pos2, g1, g2, blke, nblk, xcp = pl.pallas_call(
        _router_body,
        in_specs=[
            pl.BlockSpec((_T, _D), lambda: (0, 0)),
            pl.BlockSpec((_E, _D), lambda: (0, 0)),
            pl.BlockSpec((1, _E), lambda: (0, 0)),
        ],
        out_specs=[
            pl.BlockSpec((_T, 1), lambda: (0, 0)),
            pl.BlockSpec((_T, 1), lambda: (0, 0)),
            pl.BlockSpec((_T, 1), lambda: (0, 0)),
            pl.BlockSpec((_T, 1), lambda: (0, 0)),
            pl.BlockSpec((1, _NB), lambda: (0, 0)),
            pl.BlockSpec((1, 1), lambda: (0, 0)),
            pl.BlockSpec((_T, _D), lambda: (0, 0)),
        ],
        out_shape=[
            jax.ShapeDtypeStruct((_T, 1), jnp.int32),
            jax.ShapeDtypeStruct((_T, 1), jnp.int32),
            jax.ShapeDtypeStruct((_T, 1), jnp.float32),
            jax.ShapeDtypeStruct((_T, 1), jnp.float32),
            jax.ShapeDtypeStruct((1, _NB), jnp.int32),
            jax.ShapeDtypeStruct((1, 1), jnp.int32),
            jax.ShapeDtypeStruct((_T, _D), jnp.float32),
        ],
    )(flat, router_w, router_b.reshape(1, _E))

    dispatch_fn, combine_fn = _sc_kernels()
    xs = dispatch_fn(xcp, pos1.reshape(_T), pos2.reshape(_T))

    gs = pl.pallas_call(
        _slots_body,
        grid=(_NB,),
        in_specs=[
            pl.BlockSpec((1, _T), lambda b: (0, 0)),
            pl.BlockSpec((1, _T), lambda b: (0, 0)),
            pl.BlockSpec((1, _T), lambda b: (0, 0)),
            pl.BlockSpec((1, _T), lambda b: (0, 0)),
        ],
        out_specs=pl.BlockSpec((_BLK, 1), lambda b: (b, 0)),
        out_shape=jax.ShapeDtypeStruct((_P, 1), jnp.float32),
    )(pos1.reshape(1, _T), pos2.reshape(1, _T),
      g1.reshape(1, _T), g2.reshape(1, _T))

    ys = pl.pallas_call(
        _expert_body,
        grid_spec=pltpu.PrefetchScalarGridSpec(
            num_scalar_prefetch=2,
            grid=(_NB,),
            in_specs=[
                pl.BlockSpec((_BLK, _D), lambda b, be, nb: (b, 0)),
                pl.BlockSpec((1, _FFN, _D), lambda b, be, nb: (be[b], 0, 0)),
                pl.BlockSpec((1, 1, _FFN), lambda b, be, nb: (be[b], 0, 0)),
                pl.BlockSpec((1, _D, _FFN), lambda b, be, nb: (be[b], 0, 0)),
                pl.BlockSpec((1, 1, _D), lambda b, be, nb: (be[b], 0, 0)),
                pl.BlockSpec((1, 1, _D), lambda b, be, nb: (be[b], 0, 0)),
                pl.BlockSpec((_BLK, 1), lambda b, be, nb: (b, 0)),
            ],
            out_specs=pl.BlockSpec((_BLK, _D), lambda b, be, nb: (b, 0)),
        ),
        out_shape=jax.ShapeDtypeStruct((_P, _D), jnp.float32),
    )(blke.reshape(_NB), nblk.reshape(1), xs, w1,
      b1.reshape(_E, 1, _FFN), w2, b2.reshape(_E, 1, _D),
      width_emb.reshape(_E, 1, _D), gs)

    out1, out2 = combine_fn(ys, pos1.reshape(_T), pos2.reshape(_T))
    out = pl.pallas_call(
        _pairsum_body,
        grid=(_T // 256,),
        in_specs=[
            pl.BlockSpec((256, _D), lambda t: (t, 0)),
            pl.BlockSpec((256, _D), lambda t: (t, 0)),
        ],
        out_specs=pl.BlockSpec((256, _D), lambda t: (t, 0)),
        out_shape=jax.ShapeDtypeStruct((_T, _D), jnp.float32),
    )(out1, out2)
    return out.reshape(x.shape)

# --- scband reference (transcript-rebuilt; emitter-appended) ---
"""Pipeline reference for scband-slimmable-mo-e-8366596292693 (READ-ONLY COPY).

The authoritative reference and input builder live on the scoring server;
editing this copy changes nothing except your own understanding.
"""

import jax, jax.numpy as jnp
import numpy as np

B, S, D = 1, 2048, 768
E, K, FFN = 8, 2, 1536


def _layer_norm(v, eps=1e-5):
    m = v.mean(-1, keepdims=True)
    var = ((v - m) ** 2).mean(-1, keepdims=True)
    return (v - m) / jnp.sqrt(var + eps)


def setup_inputs(seed: int = 0) -> dict:
    key = jax.random.key(seed)
    ks = jax.random.split(key, 8)
    x = jax.random.normal(ks[0], (B, S, D), dtype=jnp.float32)
    router_w = jax.random.normal(ks[1], (E, D), dtype=jnp.float32) * 0.02
    router_b = jnp.zeros((E,), dtype=jnp.float32)
    w1 = jax.random.normal(ks[2], (E, FFN, D), dtype=jnp.float32) * (1.0 / np.sqrt(D))
    b1 = jax.random.normal(ks[3], (E, FFN), dtype=jnp.float32) * 0.01
    w2 = jax.random.normal(ks[4], (E, D, FFN), dtype=jnp.float32) * (1.0 / np.sqrt(FFN))
    b2 = jax.random.normal(ks[5], (E, D), dtype=jnp.float32) * 0.01
    width_emb = jax.random.normal(ks[6], (E, D), dtype=jnp.float32) * 0.02
    return {"x": x, "router_w": router_w, "router_b": router_b,
            "w1": w1, "b1": b1, "w2": w2, "b2": b2, "width_emb": width_emb}


def reference(x, router_w, router_b, w1, b1, w2, b2, width_emb):
    T = x.shape[0] * x.shape[1]
    flat = x.reshape(T, D)
    # Router: top-k gating over experts
    logits = flat @ router_w.T + router_b
    probs = jax.nn.softmax(logits, axis=-1)
    top_v, top_i = jax.lax.top_k(probs, K)
    gates = top_v / (top_v.sum(-1, keepdims=True) + 1e-9)
    combine = jnp.zeros((T, E), dtype=flat.dtype).at[jnp.arange(T)[:, None], top_i].add(gates)
    # SlimmableExpert (mlp, full width): add width embedding, MLP with GELU, residual + LayerNorm
    h = flat[None, :, :] + width_emb[:, None, :]                 # [E, T, D]
    y = jnp.einsum('etd,efd->etf', h, w1) + b1[:, None, :]       # [E, T, FFN]
    y = jax.nn.gelu(y, approximate=False)
    y = jnp.einsum('etf,edf->etd', y, w2) + b2[:, None, :]       # [E, T, D]
    eo = _layer_norm(h + y)                                      # [E, T, D]
    out = jnp.einsum('te,etd->td', combine, eo)
    return out.reshape(x.shape)

if __name__ == "__main__":
    import jax
    _d = setup_inputs()
    print(jax.jit(kernel)(*tuple(_d.values())))

</pallas_src>

<mosaic_0001>
#map = affine_map<(d0, d1) -> (0, 0)>
#map1 = affine_map<(d0, d1) -> (0)>
module attributes {stable_mosaic.version = 14 : i64} {
  func.func @sc_dispatch_gather(%arg0: i32, %arg1: i32, %arg2: memref<2048x768xf32, #tpu.memory_space<hbm>>, %arg3: memref<2048xi32, #tpu.memory_space<hbm>>, %arg4: memref<2048xi32, #tpu.memory_space<hbm>>, %arg5: memref<6144x768xf32, #tpu.memory_space<hbm>>, %arg6: memref<64xi32, #tpu.memory_space<vmem>>, %arg7: memref<64xi32, #tpu.memory_space<vmem>>, %arg8: memref<64x768xf32, #tpu.memory_space<vmem>>, %arg9: memref<64x768xf32, #tpu.memory_space<vmem>>, %arg10: memref<!tpu.dma_semaphore, #tpu.memory_space<semaphore_mem>>, %arg11: memref<!tpu.dma_semaphore, #tpu.memory_space<semaphore_mem>>, %arg12: memref<!tpu.dma_semaphore, #tpu.memory_space<semaphore_mem>>, %arg13: memref<!tpu.dma_semaphore, #tpu.memory_space<semaphore_mem>>) attributes {dimension_semantics = [#tpu.dimension_semantics<core_parallel>, #tpu.dimension_semantics<subcore_parallel>], iteration_bounds = array<i64: 2, 16>, scalar_prefetch = 0 : i64, scratch_operands = 8 : i64, tpu.core_type = #tpu.core_type<sc_vector_subcore>, window_params = [{transform_indices = #map}, {transform_indices = #map1}, {transform_indices = #map1}, {transform_indices = #map}]} {
    %mul3A = arith.constant 2 : i32
    %mul3A_0 = arith.muli %arg1, %mul3A : i32
    %add3A = arith.addi %mul3A_0, %arg0 : i32
    %mul3A_1 = arith.constant 64 : i32
    %mul3A_2 = arith.muli %add3A, %mul3A_1 : i32
    "tpu.region"() ({
      %run_scoped3A = tpu.sem_alloc : memref<!tpu.dma_semaphore, #tpu.memory_space<semaphore_mem>>
      %dma_start3A_13 = tpu.memref_slice %arg3[%mul3A_2] : memref<2048xi32, #tpu.memory_space<hbm>> -> memref<64xi32, #tpu.memory_space<hbm>>
      %dma_start3A_14 = tpu.memref_slice %arg3[%mul3A_2] : memref<2048xi32, #tpu.memory_space<hbm>> -> memref<64xi32, #tpu.memory_space<hbm>>
      tpu.enqueue_dma source(%dma_start3A_14 : memref<64xi32, #tpu.memory_space<hbm>>) target(%arg6 : memref<64xi32, #tpu.memory_space<vmem>>) target_semaphore(%run_scoped3A : memref<!tpu.dma_semaphore, #tpu.memory_space<semaphore_mem>>)
      %dma_wait3A_15 = tpu.memref_slice %arg3[%mul3A_2] : memref<2048xi32, #tpu.memory_space<hbm>> -> memref<64xi32, #tpu.memory_space<hbm>>
      %dma_wait3A_16 = tpu.memref_slice %arg3[%mul3A_2] : memref<2048xi32, #tpu.memory_space<hbm>> -> memref<64xi32, #tpu.memory_space<hbm>>
      tpu.wait_dma2 semaphore(%run_scoped3A : memref<!tpu.dma_semaphore, #tpu.memory_space<semaphore_mem>>) src(%dma_wait3A_16 : memref<64xi32, #tpu.memory_space<hbm>>) dst(%arg6 : memref<64xi32, #tpu.memory_space<vmem>>)
      tpu.yield
    }) : () -> ()
    "tpu.region"() ({
      %run_scoped3A = tpu.sem_alloc : memref<!tpu.dma_semaphore, #tpu.memory_space<semaphore_mem>>
      %dma_start3A_13 = tpu.memref_slice %arg4[%mul3A_2] : memref<2048xi32, #tpu.memory_space<hbm>> -> memref<64xi32, #tpu.memory_space<hbm>>
      %dma_start3A_14 = tpu.memref_slice %arg4[%mul3A_2] : memref<2048xi32, #tpu.memory_space<hbm>> -> memref<64xi32, #tpu.memory_space<hbm>>
      tpu.enqueue_dma source(%dma_start3A_14 : memref<64xi32, #tpu.memory_space<hbm>>) target(%arg7 : memref<64xi32, #tpu.memory_space<vmem>>) target_semaphore(%run_scoped3A : memref<!tpu.dma_semaphore, #tpu.memory_space<semaphore_mem>>)
      %dma_wait3A_15 = tpu.memref_slice %arg4[%mul3A_2] : memref<2048xi32, #tpu.memory_space<hbm>> -> memref<64xi32, #tpu.memory_space<hbm>>
      %dma_wait3A_16 = tpu.memref_slice %arg4[%mul3A_2] : memref<2048xi32, #tpu.memory_space<hbm>> -> memref<64xi32, #tpu.memory_space<hbm>>
      tpu.wait_dma2 semaphore(%run_scoped3A : memref<!tpu.dma_semaphore, #tpu.memory_space<semaphore_mem>>) src(%dma_wait3A_16 : memref<64xi32, #tpu.memory_space<hbm>>) dst(%arg7 : memref<64xi32, #tpu.memory_space<vmem>>)
      tpu.yield
    }) : () -> ()
    "tpu.region"() ({
      %run_scoped3A = tpu.sem_alloc : memref<!tpu.dma_semaphore, #tpu.memory_space<semaphore_mem>>
      %dma_start3A_13 = arith.constant 0 : i32
      %dma_start3A_14 = tpu.memref_slice %arg2[%mul3A_2, %dma_start3A_13] : memref<2048x768xf32, #tpu.memory_space<hbm>> -> memref<64x768xf32, #tpu.memory_space<hbm>>
      %dma_start3A_15 = arith.constant 0 : i32
      %dma_start3A_16 = tpu.memref_slice %arg2[%mul3A_2, %dma_start3A_15] : memref<2048x768xf32, #tpu.memory_space<hbm>> -> memref<64x768xf32, #tpu.memory_space<hbm>>
      tpu.enqueue_dma source(%dma_start3A_16 : memref<64x768xf32, #tpu.memory_space<hbm>>) target(%arg8 : memref<64x768xf32, #tpu.memory_space<vmem>>) target_semaphore(%run_scoped3A : memref<!tpu.dma_semaphore, #tpu.memory_space<semaphore_mem>>)
      %dma_wait3A_17 = arith.constant 0 : i32
      %dma_wait3A_18 = tpu.memref_slice %arg2[%mul3A_2, %dma_wait3A_17] : memref<2048x768xf32, #tpu.memory_space<hbm>> -> memref<64x768xf32, #tpu.memory_space<hbm>>
      %dma_wait3A_19 = arith.constant 0 : i32
      %dma_wait3A_20 = tpu.memref_slice %arg2[%mul3A_2, %dma_wait3A_19] : memref<2048x768xf32, #tpu.memory_space<hbm>> -> memref<64x768xf32, #tpu.memory_space<hbm>>
      tpu.wait_dma2 semaphore(%run_scoped3A : memref<!tpu.dma_semaphore, #tpu.memory_space<semaphore_mem>>) src(%dma_wait3A_20 : memref<64x768xf32, #tpu.memory_space<hbm>>) dst(%arg8 : memref<64x768xf32, #tpu.memory_space<vmem>>)
      tpu.yield
    }) : () -> ()
    %dma_start3A = arith.constant 0 : i32
    %dma_start3A_3 = arith.constant 0 : i32
    %dma_start3A_4 = tpu.memref_slice %arg5[%dma_start3A, %dma_start3A_3] : memref<6144x768xf32, #tpu.memory_space<hbm>> -> memref<6144x768xf32, #tpu.memory_space<hbm>>
    tpu.enqueue_indirect_dma source(%arg8 : memref<64x768xf32, #tpu.memory_space<vmem>>) target(%dma_start3A_4 : memref<6144x768xf32, #tpu.memory_space<hbm>>) offsets(%arg6 : memref<64xi32, #tpu.memory_space<vmem>>) semaphore(%arg12 : memref<!tpu.dma_semaphore, #tpu.memory_space<semaphore_mem>>)
    %dma_start3A_5 = arith.constant 0 : i32
    %dma_start3A_6 = arith.constant 0 : i32
    %dma_start3A_7 = tpu.memref_slice %arg5[%dma_start3A_5, %dma_start3A_6] : memref<6144x768xf32, #tpu.memory_space<hbm>> -> memref<6144x768xf32, #tpu.memory_space<hbm>>
    tpu.enqueue_indirect_dma source(%arg8 : memref<64x768xf32, #tpu.memory_space<vmem>>) target(%dma_start3A_7 : memref<6144x768xf32, #tpu.memory_space<hbm>>) offsets(%arg7 : memref<64xi32, #tpu.memory_space<vmem>>) semaphore(%arg13 : memref<!tpu.dma_semaphore, #tpu.memory_space<semaphore_mem>>)
    %dma_wait3A = arith.constant 0 : i32
    %dma_wait3A_8 = arith.constant 0 : i32
    %dma_wait3A_9 = tpu.memref_slice %arg5[%dma_wait3A, %dma_wait3A_8] : memref<6144x768xf32, #tpu.memory_space<hbm>> -> memref<6144x768xf32, #tpu.memory_space<hbm>>
    tpu.wait_indirect_dma semaphore(%arg12 : memref<!tpu.dma_semaphore, #tpu.memory_space<semaphore_mem>>) src(%arg8 : memref<64x768xf32, #tpu.memory_space<vmem>>) dst(%dma_wait3A_9 : memref<6144x768xf32, #tpu.memory_space<hbm>>)
    %dma_wait3A_10 = arith.constant 0 : i32
    %dma_wait3A_11 = arith.constant 0 : i32
    %dma_wait3A_12 = tpu.memref_slice %arg5[%dma_wait3A_10, %dma_wait3A_11] : memref<6144x768xf32, #tpu.memory_space<hbm>> -> memref<6144x768xf32, #tpu.memory_space<hbm>>
    tpu.wait_indirect_dma semaphore(%arg13 : memref<!tpu.dma_semaphore, #tpu.memory_space<semaphore_mem>>) src(%arg8 : memref<64x768xf32, #tpu.memory_space<vmem>>) dst(%dma_wait3A_12 : memref<6144x768xf32, #tpu.memory_space<hbm>>)
    return
  }
}

#map = affine_map<(d0, d1) -> (0, 0)>
#map1 = affine_map<(d0, d1) -> (0)>
module attributes {stable_mosaic.version = 14 : i64} {
  func.func @sc_combine_gather(%arg0: i32, %arg1: i32, %arg2: memref<6144x768xf32, #tpu.memory_space<hbm>>, %arg3: memref<2048xi32, #tpu.memory_space<hbm>>, %arg4: memref<2048xi32, #tpu.memory_space<hbm>>, %arg5: memref<2048x768xf32, #tpu.memory_space<hbm>>, %arg6: memref<2048x768xf32, #tpu.memory_space<hbm>>, %arg7: memref<64xi32, #tpu.memory_space<vmem>>, %arg8: memref<64xi32, #tpu.memory_space<vmem>>, %arg9: memref<64x768xf32, #tpu.memory_space<vmem>>, %arg10: memref<64x768xf32, #tpu.memory_space<vmem>>, %arg11: memref<!tpu.dma_semaphore, #tpu.memory_space<semaphore_mem>>, %arg12: memref<!tpu.dma_semaphore, #tpu.memory_space<semaphore_mem>>, %arg13: memref<!tpu.dma_semaphore, #tpu.memory_space<semaphore_mem>>, %arg14: memref<!tpu.dma_semaphore, #tpu.memory_space<semaphore_mem>>) attributes {dimension_semantics = [#tpu.dimension_semantics<core_parallel>, #tpu.dimension_semantics<subcore_parallel>], iteration_bounds = array<i64: 2, 16>, scalar_prefetch = 0 : i64, scratch_operands = 8 : i64, tpu.core_type = #tpu.core_type<sc_vector_subcore>, window_params = [{transform_indices = #map}, {transform_indices = #map1}, {transform_indices = #map1}, {transform_indices = #map}, {transform_indices = #map}]} {
    %mul3A = arith.constant 2 : i32
    %mul3A_0 = arith.muli %arg1, %mul3A : i32
    %add3A = arith.addi %mul3A_0, %arg0 : i32
    %mul3A_1 = arith.constant 64 : i32
    %mul3A_2 = arith.muli %add3A, %mul3A_1 : i32
    "tpu.region"() ({
      %run_scoped3A = tpu.sem_alloc : memref<!tpu.dma_semaphore, #tpu.memory_space<semaphore_mem>>
      %dma_start3A_29 = tpu.memref_slice %arg3[%mul3A_2] : memref<2048xi32, #tpu.memory_space<hbm>> -> memref<64xi32, #tpu.memory_space<hbm>>
      %dma_start3A_30 = tpu.memref_slice %arg3[%mul3A_2] : memref<2048xi32, #tpu.memory_space<hbm>> -> memref<64xi32, #tpu.memory_space<hbm>>
      tpu.enqueue_dma source(%dma_start3A_30 : memref<64xi32, #tpu.memory_space<hbm>>) target(%arg7 : memref<64xi32, #tpu.memory_space<vmem>>) target_semaphore(%run_scoped3A : memref<!tpu.dma_semaphore, #tpu.memory_space<semaphore_mem>>)
      %dma_wait3A_31 = tpu.memref_slice %arg3[%mul3A_2] : memref<2048xi32, #tpu.memory_space<hbm>> -> memref<64xi32, #tpu.memory_space<hbm>>
      %dma_wait3A_32 = tpu.memref_slice %arg3[%mul3A_2] : memref<2048xi32, #tpu.memory_space<hbm>> -> memref<64xi32, #tpu.memory_space<hbm>>
      tpu.wait_dma2 semaphore(%run_scoped3A : memref<!tpu.dma_semaphore, #tpu.memory_space<semaphore_mem>>) src(%dma_wait3A_32 : memref<64xi32, #tpu.memory_space<hbm>>) dst(%arg7 : memref<64xi32, #tpu.memory_space<vmem>>)
      tpu.yield
    }) : () -> ()
    "tpu.region"() ({
      %run_scoped3A = tpu.sem_alloc : memref<!tpu.dma_semaphore, #tpu.memory_space<semaphore_mem>>
      %dma_start3A_29 = tpu.memref_slice %arg4[%mul3A_2] : memref<2048xi32, #tpu.memory_space<hbm>> -> memref<64xi32, #tpu.memory_space<hbm>>
      %dma_start3A_30 = tpu.memref_slice %arg4[%mul3A_2] : memref<2048xi32, #tpu.memory_space<hbm>> -> memref<64xi32, #tpu.memory_space<hbm>>
      tpu.enqueue_dma source(%dma_start3A_30 : memref<64xi32, #tpu.memory_space<hbm>>) target(%arg8 : memref<64xi32, #tpu.memory_space<vmem>>) target_semaphore(%run_scoped3A : memref<!tpu.dma_semaphore, #tpu.memory_space<semaphore_mem>>)
      %dma_wait3A_31 = tpu.memref_slice %arg4[%mul3A_2] : memref<2048xi32, #tpu.memory_space<hbm>> -> memref<64xi32, #tpu.memory_space<hbm>>
      %dma_wait3A_32 = tpu.memref_slice %arg4[%mul3A_2] : memref<2048xi32, #tpu.memory_space<hbm>> -> memref<64xi32, #tpu.memory_space<hbm>>
      tpu.wait_dma2 semaphore(%run_scoped3A : memref<!tpu.dma_semaphore, #tpu.memory_space<semaphore_mem>>) src(%dma_wait3A_32 : memref<64xi32, #tpu.memory_space<hbm>>) dst(%arg8 : memref<64xi32, #tpu.memory_space<vmem>>)
      tpu.yield
    }) : () -> ()
    %dma_start3A = arith.constant 0 : i32
    %dma_start3A_3 = arith.constant 0 : i32
    %dma_start3A_4 = tpu.memref_slice %arg2[%dma_start3A, %dma_start3A_3] : memref<6144x768xf32, #tpu.memory_space<hbm>> -> memref<6144x768xf32, #tpu.memory_space<hbm>>
    tpu.enqueue_indirect_dma source(%dma_start3A_4 : memref<6144x768xf32, #tpu.memory_space<hbm>>) target(%arg9 : memref<64x768xf32, #tpu.memory_space<vmem>>) offsets(%arg7 : memref<64xi32, #tpu.memory_space<vmem>>) semaphore(%arg11 : memref<!tpu.dma_semaphore, #tpu.memory_space<semaphore_mem>>)
    %dma_start3A_5 = arith.constant 0 : i32
    %dma_start3A_6 = arith.constant 0 : i32
    %dma_start3A_7 = tpu.memref_slice %arg2[%dma_start3A_5, %dma_start3A_6] : memref<6144x768xf32, #tpu.memory_space<hbm>> -> memref<6144x768xf32, #tpu.memory_space<hbm>>
    tpu.enqueue_indirect_dma source(%dma_start3A_7 : memref<6144x768xf32, #tpu.memory_space<hbm>>) target(%arg10 : memref<64x768xf32, #tpu.memory_space<vmem>>) offsets(%arg8 : memref<64xi32, #tpu.memory_space<vmem>>) semaphore(%arg12 : memref<!tpu.dma_semaphore, #tpu.memory_space<semaphore_mem>>)
    %dma_wait3A = arith.constant 0 : i32
    %dma_wait3A_8 = arith.constant 0 : i32
    %dma_wait3A_9 = tpu.memref_slice %arg2[%dma_wait3A, %dma_wait3A_8] : memref<6144x768xf32, #tpu.memory_space<hbm>> -> memref<6144x768xf32, #tpu.memory_space<hbm>>
    tpu.wait_indirect_dma semaphore(%arg11 : memref<!tpu.dma_semaphore, #tpu.memory_space<semaphore_mem>>) src(%dma_wait3A_9 : memref<6144x768xf32, #tpu.memory_space<hbm>>) dst(%arg9 : memref<64x768xf32, #tpu.memory_space<vmem>>)
    %dma_start3A_10 = arith.constant 0 : i32
    %dma_start3A_11 = tpu.memref_slice %arg5[%mul3A_2, %dma_start3A_10] : memref<2048x768xf32, #tpu.memory_space<hbm>> -> memref<64x768xf32, #tpu.memory_space<hbm>>
    %dma_start3A_12 = arith.constant 0 : i32
    %dma_start3A_13 = tpu.memref_slice %arg5[%mul3A_2, %dma_start3A_12] : memref<2048x768xf32, #tpu.memory_space<hbm>> -> memref<64x768xf32, #tpu.memory_space<hbm>>
    tpu.enqueue_dma source(%arg9 : memref<64x768xf32, #tpu.memory_space<vmem>>) target(%dma_start3A_13 : memref<64x768xf32, #tpu.memory_space<hbm>>) target_semaphore(%arg13 : memref<!tpu.dma_semaphore, #tpu.memory_space<semaphore_mem>>)
    %dma_wait3A_14 = arith.constant 0 : i32
    %dma_wait3A_15 = arith.constant 0 : i32
    %dma_wait3A_16 = tpu.memref_slice %arg2[%dma_wait3A_14, %dma_wait3A_15] : memref<6144x768xf32, #tpu.memory_space<hbm>> -> memref<6144x768xf32, #tpu.memory_space<hbm>>
    tpu.wait_indirect_dma semaphore(%arg12 : memref<!tpu.dma_semaphore, #tpu.memory_space<semaphore_mem>>) src(%dma_wait3A_16 : memref<6144x768xf32, #tpu.memory_space<hbm>>) dst(%arg10 : memref<64x768xf32, #tpu.memory_space<vmem>>)
    %dma_start3A_17 = arith.constant 0 : i32
    %dma_start3A_18 = tpu.memref_slice %arg6[%mul3A_2, %dma_start3A_17] : memref<2048x768xf32, #tpu.memory_space<hbm>> -> memref<64x768xf32, #tpu.memory_space<hbm>>
    %dma_start3A_19 = arith.constant 0 : i32
    %dma_start3A_20 = tpu.memref_slice %arg6[%mul3A_2, %dma_start3A_19] : memref<2048x768xf32, #tpu.memory_space<hbm>> -> memref<64x768xf32, #tpu.memory_space<hbm>>
    tpu.enqueue_dma source(%arg10 : memref<64x768xf32, #tpu.memory_space<vmem>>) target(%dma_start3A_20 : memref<64x768xf32, #tpu.memory_space<hbm>>) target_semaphore(%arg14 : memref<!tpu.dma_semaphore, #tpu.memory_space<semaphore_mem>>)
    %dma_wait3A_21 = arith.constant 0 : i32
    %dma_wait3A_22 = tpu.memref_slice %arg5[%mul3A_2, %dma_wait3A_21] : memref<2048x768xf32, #tpu.memory_space<hbm>> -> memref<64x768xf32, #tpu.memory_space<hbm>>
    %dma_wait3A_23 = arith.constant 0 : i32
    %dma_wait3A_24 = tpu.memref_slice %arg5[%mul3A_2, %dma_wait3A_23] : memref<2048x768xf32, #tpu.memory_space<hbm>> -> memref<64x768xf32, #tpu.memory_space<hbm>>
    tpu.wait_dma2 semaphore(%arg13 : memref<!tpu.dma_semaphore, #tpu.memory_space<semaphore_mem>>) src(%arg9 : memref<64x768xf32, #tpu.memory_space<vmem>>) dst(%dma_wait3A_24 : memref<64x768xf32, #tpu.memory_space<hbm>>)
    %dma_wait3A_25 = arith.constant 0 : i32
    %dma_wait3A_26 = tpu.memref_slice %arg6[%mul3A_2, %dma_wait3A_25] : memref<2048x768xf32, #tpu.memory_space<hbm>> -> memref<64x768xf32, #tpu.memory_space<hbm>>
    %dma_wait3A_27 = arith.constant 0 : i32
    %dma_wait3A_28 = tpu.memref_slice %arg6[%mul3A_2, %dma_wait3A_27] : memref<2048x768xf32, #tpu.memory_space<hbm>> -> memref<64x768xf32, #tpu.memory_space<hbm>>
    tpu.wait_dma2 semaphore(%arg14 : memref<!tpu.dma_semaphore, #tpu.memory_space<semaphore_mem>>) src(%arg10 : memref<64x768xf32, #tpu.memory_space<vmem>>) dst(%dma_wait3A_28 : memref<64x768xf32, #tpu.memory_space<hbm>>)
    return
  }
}

module attributes {stable_mosaic.version = 14 : i64} {
  func.func @_router_body(%arg0: memref<2048x768xf32, #tpu.memory_space<vmem>>, %arg1: memref<8x768xf32, #tpu.memory_space<vmem>>, %arg2: memref<1x8xf32, #tpu.memory_space<vmem>>, %arg3: memref<2048x1xi32, #tpu.memory_space<vmem>>, %arg4: memref<2048x1xi32, #tpu.memory_space<vmem>>, %arg5: memref<2048x1xf32, #tpu.memory_space<vmem>>, %arg6: memref<2048x1xf32, #tpu.memory_space<vmem>>, %arg7: memref<1x24xi32, #tpu.memory_space<vmem>>, %arg8: memref<1x1xi32, #tpu.memory_space<vmem>>, %arg9: memref<2048x768xf32, #tpu.memory_space<vmem>>) attributes {dimension_semantics = [], scalar_prefetch = 0 : i64, scratch_operands = 0 : i64, tpu.core_type = #tpu.core_type<tc>} {
    %get3A = arith.constant 0 : index
    %get3A_0 = arith.constant 0 : index
    %get3A_1 = vector.load %arg0[%get3A, %get3A_0] : memref<2048x768xf32, #tpu.memory_space<vmem>>, vector<2048x768xf32>
    %swap3A = arith.constant 0 : index
    %swap3A_2 = arith.constant 0 : index
    %swap3A_3 = vector.load %arg9[%swap3A, %swap3A_2] : memref<2048x768xf32, #tpu.memory_space<vmem>>, vector<2048x768xf32>
    tpu.vector_store %arg9[%swap3A, %swap3A_2], %get3A_1 {strides = array<i32>} : memref<2048x768xf32, #tpu.memory_space<vmem>>, vector<2048x768xf32>,
    %get3A_4 = arith.constant 0 : index
    %get3A_5 = arith.constant 0 : index
    %get3A_6 = vector.load %arg1[%get3A_4, %get3A_5] : memref<8x768xf32, #tpu.memory_space<vmem>>, vector<8x768xf32>
    %dot_general3A = arith.constant dense<0.000000e+00> : vector<2048x8xf32>
    %dot_general3A_7 = tpu.matmul %get3A_1, %get3A_6, %dot_general3A {dimension_numbers = #tpu.dot_dimension_numbers<[1], [1], [0], [0], [0, 0, 1, 0], [], []>, transpose_lhs_hint = false} : vector<2048x768xf32>, vector<8x768xf32>, vector<2048x8xf32> -> vector<2048x8xf32>
    %get3A_8 = arith.constant 0 : index
    %get3A_9 = arith.constant 0 : index
    %get3A_10 = vector.load %arg2[%get3A_8, %get3A_9] : memref<1x8xf32, #tpu.memory_space<vmem>>, vector<1x8xf32>
    %add3A = vector.broadcast %get3A_10 : vector<1x8xf32> to vector<2048x8xf32>
    %add3A_11 = arith.addf %dot_general3A_7, %add3A : vector<2048x8xf32>
    %reduce_max3A = arith.constant dense<0xFF800000> : vector<2048xf32>
    %reduce_max3A_12 = vector.multi_reduction <maximumf>, %add3A_11, %reduce_max3A [1] : vector<2048x8xf32> to vector<2048xf32>
    %broadcast_in_dim3A = vector.shape_cast %reduce_max3A_12 : vector<2048xf32> to vector<2048x1xf32>
    %sub3A = vector.broadcast %broadcast_in_dim3A : vector<2048x1xf32> to vector<2048x8xf32>
    %sub3A_13 = arith.subf %add3A_11, %sub3A : vector<2048x8xf32>
    %exp3A = math.exp %sub3A_13 : vector<2048x8xf32>
    %reduce_sum3A = arith.constant dense<0.000000e+00> : vector<2048xf32>
    %reduce_sum3A_14 = vector.multi_reduction <add>, %exp3A, %reduce_sum3A [1] : vector<2048x8xf32> to vector<2048xf32>
    %broadcast_in_dim3A_15 = vector.shape_cast %reduce_sum3A_14 : vector<2048xf32> to vector<2048x1xf32>
    %div3A = vector.broadcast %broadcast_in_dim3A_15 : vector<2048x1xf32> to vector<2048x8xf32>
    %div3A_16 = arith.divf %exp3A, %div3A : vector<2048x8xf32>
    %iota3A = tpu.iota {dimensions = array<i32: 1>} : vector<2048x8xi32>
    %reduce_max3A_17 = arith.constant dense<0xFF800000> : vector<2048xf32>
    %reduce_max3A_18 = vector.multi_reduction <maximumf>, %div3A_16, %reduce_max3A_17 [1] : vector<2048x8xf32> to vector<2048xf32>
    %broadcast_in_dim3A_19 = vector.shape_cast %reduce_max3A_18 : vector<2048xf32> to vector<2048x1xf32>
    %eq3A = vector.broadcast %broadcast_in_dim3A_19 : vector<2048x1xf32> to vector<2048x8xf32>
    %eq3A_20 = arith.cmpf oeq, %div3A_16, %eq3A : vector<2048x8xf32>
    %jit3A = arith.constant 8 : i32
    %broadcast_in_dim3A_21 = vector.broadcast %jit3A : i32 to vector<2048x8xi32>
    %select_n3A = arith.select %eq3A_20, %iota3A, %broadcast_in_dim3A_21 : vector<2048x8xi1>, vector<2048x8xi32>
    %reduce_min3A = arith.constant dense<2147483647> : vector<2048xi32>
    %reduce_min3A_22 = vector.multi_reduction <minsi>, %select_n3A, %reduce_min3A [1] : vector<2048x8xi32> to vector<2048xi32>
    %broadcast_in_dim3A_23 = vector.shape_cast %reduce_min3A_22 : vector<2048xi32> to vector<2048x1xi32>
    %eq3A_24 = vector.broadcast %broadcast_in_dim3A_23 : vector<2048x1xi32> to vector<2048x8xi32>
    %eq3A_25 = arith.cmpi eq, %iota3A, %eq3A_24 : vector<2048x8xi32>
    %convert_element_type3A = arith.extui %eq3A_25 : vector<2048x8xi1> to vector<2048x8xi32>
    %convert_element_type3A_26 = arith.sitofp %convert_element_type3A : vector<2048x8xi32> to vector<2048x8xf32>
    %eq3A_27 = vector.broadcast %broadcast_in_dim3A_23 : vector<2048x1xi32> to vector<2048x8xi32>
    %eq3A_28 = arith.cmpi eq, %iota3A, %eq3A_27 : vector<2048x8xi32>
    %jit3A_29 = arith.constant -1.000000e+00 : f32
    %broadcast_in_dim3A_30 = vector.broadcast %jit3A_29 : f32 to vector<2048x8xf32>
    %select_n3A_31 = arith.select %eq3A_28, %broadcast_in_dim3A_30, %div3A_16 : vector<2048x8xi1>, vector<2048x8xf32>
    %reduce_max3A_32 = arith.constant dense<0xFF800000> : vector<2048xf32>
    %reduce_max3A_33 = vector.multi_reduction <maximumf>, %select_n3A_31, %reduce_max3A_32 [1] : vector<2048x8xf32> to vector<2048xf32>
    %broadcast_in_dim3A_34 = vector.shape_cast %reduce_max3A_33 : vector<2048xf32> to vector<2048x1xf32>
    %eq3A_35 = vector.broadcast %broadcast_in_dim3A_34 : vector<2048x1xf32> to vector<2048x8xf32>
    %eq3A_36 = arith.cmpf oeq, %select_n3A_31, %eq3A_35 : vector<2048x8xf32>
    %jit3A_37 = arith.constant 8 : i32
    %broadcast_in_dim3A_38 = vector.broadcast %jit3A_37 : i32 to vector<2048x8xi32>
    %select_n3A_39 = arith.select %eq3A_36, %iota3A, %broadcast_in_dim3A_38 : vector<2048x8xi1>, vector<2048x8xi32>
    %reduce_min3A_40 = arith.constant dense<2147483647> : vector<2048xi32>
    %reduce_min3A_41 = vector.multi_reduction <minsi>, %select_n3A_39, %reduce_min3A_40 [1] : vector<2048x8xi32> to vector<2048xi32>
    %broadcast_in_dim3A_42 = vector.shape_cast %reduce_min3A_41 : vector<2048xi32> to vector<2048x1xi32>
    %eq3A_43 = vector.broadcast %broadcast_in_dim3A_42 : vector<2048x1xi32> to vector<2048x8xi32>
    %eq3A_44 = arith.cmpi eq, %iota3A, %eq3A_43 : vector<2048x8xi32>
    %convert_element_type3A_45 = arith.extui %eq3A_44 : vector<2048x8xi1> to vector<2048x8xi32>
    %convert_element_type3A_46 = arith.sitofp %convert_element_type3A_45 : vector<2048x8xi32> to vector<2048x8xf32>
    %add3A_47 = arith.addf %broadcast_in_dim3A_19, %broadcast_in_dim3A_34 : vector<2048x1xf32>
    %add3A_48 = arith.constant 9.99999971E-10 : f32
    %add3A_49 = vector.broadcast %add3A_48 : f32 to vector<2048x1xf32>
    %add3A_50 = arith.addf %add3A_47, %add3A_49 : vector<2048x1xf32>
    %div3A_51 = arith.divf %broadcast_in_dim3A_19, %add3A_50 : vector<2048x1xf32>
    %swap3A_52 = arith.constant 0 : index
    %swap3A_53 = arith.constant 0 : index
    %swap3A_54 = vector.load %arg5[%swap3A_52, %swap3A_53] : memref<2048x1xf32, #tpu.memory_space<vmem>>, vector<2048x1xf32>
    tpu.vector_store %arg5[%swap3A_52, %swap3A_53], %div3A_51 {strides = array<i32>} : memref<2048x1xf32, #tpu.memory_space<vmem>>, vector<2048x1xf32>,
    %div3A_55 = arith.divf %broadcast_in_dim3A_34, %add3A_50 : vector<2048x1xf32>
    %swap3A_56 = arith.constant 0 : index
    %swap3A_57 = arith.constant 0 : index
    %swap3A_58 = vector.load %arg6[%swap3A_56, %swap3A_57] : memref<2048x1xf32, #tpu.memory_space<vmem>>, vector<2048x1xf32>
    tpu.vector_store %arg6[%swap3A_56, %swap3A_57], %div3A_55 {strides = array<i32>} : memref<2048x1xf32, #tpu.memory_space<vmem>>, vector<2048x1xf32>,
    %iota3A_59 = tpu.iota {dimensions = array<i32: 0>} : vector<2048x2048xi32>
    %iota3A_60 = tpu.iota {dimensions = array<i32: 1>} : vector<2048x2048xi32>
    %le3A = arith.cmpi sle, %iota3A_60, %iota3A_59 : vector<2048x2048xi32>
    %convert_element_type3A_61 = arith.extui %le3A : vector<2048x2048xi1> to vector<2048x2048xi32>
    %convert_element_type3A_62 = arith.sitofp %convert_element_type3A_61 : vector<2048x2048xi32> to vector<2048x2048xf32>
    %convert_element_type3A_63 = arith.truncf %convert_element_type3A_62 : vector<2048x2048xf32> to vector<2048x2048xbf16>
    %concatenate3A = tpu.concatenate %convert_element_type3A_26, %convert_element_type3A_46 in 1 : vector<2048x8xf32>, vector<2048x8xf32> -> vector<2048x16xf32>
    %convert_element_type3A_64 = arith.truncf %concatenate3A : vector<2048x16xf32> to vector<2048x16xbf16>
    %dot_general3A_65 = arith.constant dense<0.000000e+00> : vector<2048x16xf32>
    %dot_general3A_66 = tpu.matmul %convert_element_type3A_63, %convert_element_type3A_64, %dot_general3A_65 {dimension_numbers = #tpu.dot_dimension_numbers<[1], [0], [0], [1], [0, 0, 1, 1], [], []>, transpose_lhs_hint = false} : vector<2048x2048xbf16>, vector<2048x16xbf16>, vector<2048x16xf32> -> vector<2048x16xf32>
    %slice3A = vector.extract_strided_slice %dot_general3A_66 {offsets = [0, 0], sizes = [2048, 8], strides = [1, 1]} : vector<2048x16xf32> to vector<2048x8xf32>
    %slice3A_67 = vector.extract_strided_slice %dot_general3A_66 {offsets = [0, 8], sizes = [2048, 8], strides = [1, 1]} : vector<2048x16xf32> to vector<2048x8xf32>
    %slice3A_68 = vector.extract_strided_slice %slice3A {offsets = [2047, 0], sizes = [1, 8], strides = [1, 1]} : vector<2048x8xf32> to vector<1x8xf32>
    %slice3A_69 = vector.extract_strided_slice %slice3A_67 {offsets = [2047, 0], sizes = [1, 8], strides = [1, 1]} : vector<2048x8xf32> to vector<1x8xf32>
    %add3A_70 = arith.addf %slice3A_68, %slice3A_69 : vector<1x8xf32>
    %add3A_71 = arith.constant 2.550000e+02 : f32
    %add3A_72 = vector.broadcast %add3A_71 : f32 to vector<1x8xf32>
    %add3A_73 = arith.addf %add3A_70, %add3A_72 : vector<1x8xf32>
    %mul3A = arith.constant 3.906250e-03 : f32
    %mul3A_74 = vector.broadcast %mul3A : f32 to vector<1x8xf32>
    %mul3A_75 = arith.mulf %add3A_73, %mul3A_74 : vector<1x8xf32>
    %floor3A = math.floor %mul3A_75 : vector<1x8xf32>
    %mul3A_76 = arith.constant 2.560000e+02 : f32
    %mul3A_77 = vector.broadcast %mul3A_76 : f32 to vector<1x8xf32>
    %mul3A_78 = arith.mulf %floor3A, %mul3A_77 : vector<1x8xf32>
    %iota3A_79 = tpu.iota {dimensions = array<i32: 0>} : vector<8x8xi32>
    %iota3A_80 = tpu.iota {dimensions = array<i32: 1>} : vector<8x8xi32>
    %lt3A = arith.cmpi slt, %iota3A_79, %iota3A_80 : vector<8x8xi32>
    %convert_element_type3A_81 = arith.extui %lt3A : vector<8x8xi1> to vector<8x8xi32>
    %convert_element_type3A_82 = arith.sitofp %convert_element_type3A_81 : vector<8x8xi32> to vector<8x8xf32>
    %dot_general3A_83 = arith.constant dense<0.000000e+00> : vector<1x8xf32>
    %dot_general3A_84 = tpu.matmul %mul3A_78, %convert_element_type3A_82, %dot_general3A_83 {dimension_numbers = #tpu.dot_dimension_numbers<[1], [0], [0], [1], [0, 0, 1, 1], [], []>, transpose_lhs_hint = false} : vector<1x8xf32>, vector<8x8xf32>, vector<1x8xf32> -> vector<1x8xf32>
    %add3A_85 = vector.broadcast %dot_general3A_84 : vector<1x8xf32> to vector<2048x8xf32>
    %add3A_86 = arith.addf %add3A_85, %slice3A : vector<2048x8xf32>
    %sub3A_87 = arith.constant 1.000000e+00 : f32
    %sub3A_88 = vector.broadcast %sub3A_87 : f32 to vector<2048x8xf32>
    %sub3A_89 = arith.subf %add3A_86, %sub3A_88 : vector<2048x8xf32>
    %mul3A_90 = arith.mulf %convert_element_type3A_26, %sub3A_89 : vector<2048x8xf32>
    %reduce_sum3A_91 = arith.constant dense<0.000000e+00> : vector<2048xf32>
    %reduce_sum3A_92 = vector.multi_reduction <add>, %mul3A_90, %reduce_sum3A_91 [1] : vector<2048x8xf32> to vector<2048xf32>
    %broadcast_in_dim3A_93 = vector.shape_cast %reduce_sum3A_92 : vector<2048xf32> to vector<2048x1xf32>
    %add3A_94 = arith.addf %dot_general3A_84, %slice3A_68 : vector<1x8xf32>
    %add3A_95 = vector.broadcast %add3A_94 : vector<1x8xf32> to vector<2048x8xf32>
    %add3A_96 = arith.addf %add3A_95, %slice3A_67 : vector<2048x8xf32>
    %sub3A_97 = arith.constant 1.000000e+00 : f32
    %sub3A_98 = vector.broadcast %sub3A_97 : f32 to vector<2048x8xf32>
    %sub3A_99 = arith.subf %add3A_96, %sub3A_98 : vector<2048x8xf32>
    %mul3A_100 = arith.mulf %convert_element_type3A_46, %sub3A_99 : vector<2048x8xf32>
    %reduce_sum3A_101 = arith.constant dense<0.000000e+00> : vector<2048xf32>
    %reduce_sum3A_102 = vector.multi_reduction <add>, %mul3A_100, %reduce_sum3A_101 [1] : vector<2048x8xf32> to vector<2048xf32>
    %broadcast_in_dim3A_103 = vector.shape_cast %reduce_sum3A_102 : vector<2048xf32> to vector<2048x1xf32>
    %convert_element_type3A_104 = arith.fptosi %broadcast_in_dim3A_93 : vector<2048x1xf32> to vector<2048x1xi32>
    %swap3A_105 = arith.constant 0 : index
    %swap3A_106 = arith.constant 0 : index
    %swap3A_107 = vector.load %arg3[%swap3A_105, %swap3A_106] : memref<2048x1xi32, #tpu.memory_space<vmem>>, vector<2048x1xi32>
    tpu.vector_store %arg3[%swap3A_105, %swap3A_106], %convert_element_type3A_104 {strides = array<i32>} : memref<2048x1xi32, #tpu.memory_space<vmem>>, vector<2048x1xi32>,
    %convert_element_type3A_108 = arith.fptosi %broadcast_in_dim3A_103 : vector<2048x1xf32> to vector<2048x1xi32>
    %swap3A_109 = arith.constant 0 : index
    %swap3A_110 = arith.constant 0 : index
    %swap3A_111 = vector.load %arg4[%swap3A_109, %swap3A_110] : memref<2048x1xi32, #tpu.memory_space<vmem>>, vector<2048x1xi32>
    tpu.vector_store %arg4[%swap3A_109, %swap3A_110], %convert_element_type3A_108 {strides = array<i32>} : memref<2048x1xi32, #tpu.memory_space<vmem>>, vector<2048x1xi32>,
    %add3A_112 = arith.addf %dot_general3A_84, %mul3A_78 : vector<1x8xf32>
    %iota3A_113 = tpu.iota {dimensions = array<i32: 0>} : vector<8x8xi32>
    %iota3A_114 = tpu.iota {dimensions = array<i32: 1>} : vector<8x8xi32>
    %eq3A_115 = arith.cmpi eq, %iota3A_113, %iota3A_114 : vector<8x8xi32>
    %convert_element_type3A_116 = arith.extui %eq3A_115 : vector<8x8xi1> to vector<8x8xi32>
    %convert_element_type3A_117 = arith.sitofp %convert_element_type3A_116 : vector<8x8xi32> to vector<8x8xf32>
    %mul3A_118 = vector.broadcast %add3A_112 : vector<1x8xf32> to vector<8x8xf32>
    %mul3A_119 = arith.mulf %mul3A_118, %convert_element_type3A_117 : vector<8x8xf32>
    %reduce_sum3A_120 = arith.constant dense<0.000000e+00> : vector<8xf32>
    %reduce_sum3A_121 = vector.multi_reduction <add>, %mul3A_119, %reduce_sum3A_120 [1] : vector<8x8xf32> to vector<8xf32>
    %broadcast_in_dim3A_122 = vector.shape_cast %reduce_sum3A_121 : vector<8xf32> to vector<8x1xf32>
    %iota3A_123 = tpu.iota {dimensions = array<i32: 1>} : vector<8x24xi32>
    %convert_element_type3A_124 = arith.sitofp %iota3A_123 : vector<8x24xi32> to vector<8x24xf32>
    %mul3A_125 = arith.constant 2.560000e+02 : f32
    %mul3A_126 = vector.broadcast %mul3A_125 : f32 to vector<8x24xf32>
    %mul3A_127 = arith.mulf %convert_element_type3A_124, %mul3A_126 : vector<8x24xf32>
    %ge3A = vector.broadcast %broadcast_in_dim3A_122 : vector<8x1xf32> to vector<8x24xf32>
    %ge3A_128 = arith.cmpf oge, %mul3A_127, %ge3A : vector<8x24xf32>
    %convert_element_type3A_129 = arith.extui %ge3A_128 : vector<8x24xi1> to vector<8x24xi32>
    %convert_element_type3A_130 = arith.sitofp %convert_element_type3A_129 : vector<8x24xi32> to vector<8x24xf32>
    %reduce_sum3A_131 = arith.constant dense<0.000000e+00> : vector<24xf32>
    %reduce_sum3A_132 = vector.multi_reduction <add>, %convert_element_type3A_130, %reduce_sum3A_131 [0] : vector<8x24xf32> to vector<24xf32>
    %broadcast_in_dim3A_133 = vector.shape_cast %reduce_sum3A_132 : vector<24xf32> to vector<1x24xf32>
    %min3A = arith.constant 7.000000e+00 : f32
    %min3A_134 = vector.broadcast %min3A : f32 to vector<1x24xf32>
    %min3A_135 = arith.minimumf %broadcast_in_dim3A_133, %min3A_134 : vector<1x24xf32>
    %convert_element_type3A_136 = arith.fptosi %min3A_135 : vector<1x24xf32> to vector<1x24xi32>
    %swap3A_137 = arith.constant 0 : index
    %swap3A_138 = arith.constant 0 : index
    %swap3A_139 = vector.load %arg7[%swap3A_137, %swap3A_138] : memref<1x24xi32, #tpu.memory_space<vmem>>, vector<1x24xi32>
    tpu.vector_store %arg7[%swap3A_137, %swap3A_138], %convert_element_type3A_136 {strides = array<i32>} : memref<1x24xi32, #tpu.memory_space<vmem>>, vector<1x24xi32>,
    %reduce_sum3A_140 = arith.constant dense<0.000000e+00> : vector<1xf32>
    %reduce_sum3A_141 = vector.multi_reduction <add>, %mul3A_78, %reduce_sum3A_140 [1] : vector<1x8xf32> to vector<1xf32>
    %broadcast_in_dim3A_142 = vector.shape_cast %reduce_sum3A_141 : vector<1xf32> to vector<1x1xf32>
    %mul3A_143 = arith.constant 3.906250e-03 : f32
    %mul3A_144 = vector.broadcast %mul3A_143 : f32 to vector<1x1xf32>
    %mul3A_145 = arith.mulf %broadcast_in_dim3A_142, %mul3A_144 : vector<1x1xf32>
    %convert_element_type3A_146 = arith.fptosi %mul3A_145 : vector<1x1xf32> to vector<1x1xi32>
    %swap3A_147 = arith.constant 0 : index
    %swap3A_148 = arith.constant 0 : index
    %swap3A_149 = vector.load %arg8[%swap3A_147, %swap3A_148] : memref<1x1xi32, #tpu.memory_space<vmem>>, vector<1x1xi32>
    tpu.vector_store %arg8[%swap3A_147, %swap3A_148], %convert_element_type3A_146 {strides = array<i32>} : memref<1x1xi32, #tpu.memory_space<vmem>>, vector<1x1xi32>,
    return
  }
}

module attributes {stable_mosaic.version = 14 : i64} {
  func.func @_slots_body(%arg0: i32, %arg1: memref<1x2048xi32, #tpu.memory_space<vmem>>, %arg2: memref<1x2048xi32, #tpu.memory_space<vmem>>, %arg3: memref<1x2048xf32, #tpu.memory_space<vmem>>, %arg4: memref<1x2048xf32, #tpu.memory_space<vmem>>, %arg5: memref<256x1xf32, #tpu.memory_space<vmem>>) attributes {dimension_semantics = [#tpu.dimension_semantics<arbitrary>], iteration_bounds = array<i64: 24>, scalar_prefetch = 0 : i64, scratch_operands = 0 : i64, tpu.core_type = #tpu.core_type<tc>, window_params = [{pipeline_mode = #tpu.pipeline_mode<synchronous>, transform_indices = @transform_0, window_bounds = array<i64: 1, 2048>}, {pipeline_mode = #tpu.pipeline_mode<synchronous>, transform_indices = @transform_1, window_bounds = array<i64: 1, 2048>}, {pipeline_mode = #tpu.pipeline_mode<synchronous>, transform_indices = @transform_2, window_bounds = array<i64: 1, 2048>}, {pipeline_mode = #tpu.pipeline_mode<synchronous>, transform_indices = @transform_3, window_bounds = array<i64: 1, 2048>}, {transform_indices = @transform_4, window_bounds = array<i64: 256, 1>}]} {
    %mul3A = arith.constant 256 : i32
    %mul3A_0 = arith.muli %arg0, %mul3A : i32
    %iota3A = tpu.iota {dimensions = array<i32: 0>} : vector<256x1xi32>
    %add3A = vector.broadcast %mul3A_0 : i32 to vector<256x1xi32>
    %add3A_1 = arith.addi %add3A, %iota3A : vector<256x1xi32>
    %get3A = arith.constant 0 : index
    %get3A_2 = arith.constant 0 : index
    %get3A_3 = vector.load %arg1[%get3A, %get3A_2] : memref<1x2048xi32, #tpu.memory_space<vmem>>, vector<1x2048xi32>
    %eq3A = vector.broadcast %get3A_3 : vector<1x2048xi32> to vector<256x2048xi32>
    %eq3A_4 = vector.broadcast %add3A_1 : vector<256x1xi32> to vector<256x2048xi32>
    %eq3A_5 = arith.cmpi eq, %eq3A, %eq3A_4 : vector<256x2048xi32>
    %convert_element_type3A = arith.extui %eq3A_5 : vector<256x2048xi1> to vector<256x2048xi32>
    %convert_element_type3A_6 = arith.sitofp %convert_element_type3A : vector<256x2048xi32> to vector<256x2048xf32>
    %get3A_7 = arith.constant 0 : index
    %get3A_8 = arith.constant 0 : index
    %get3A_9 = vector.load %arg2[%get3A_7, %get3A_8] : memref<1x2048xi32, #tpu.memory_space<vmem>>, vector<1x2048xi32>
    %eq3A_10 = vector.broadcast %get3A_9 : vector<1x2048xi32> to vector<256x2048xi32>
    %eq3A_11 = vector.broadcast %add3A_1 : vector<256x1xi32> to vector<256x2048xi32>
    %eq3A_12 = arith.cmpi eq, %eq3A_10, %eq3A_11 : vector<256x2048xi32>
    %convert_element_type3A_13 = arith.extui %eq3A_12 : vector<256x2048xi1> to vector<256x2048xi32>
    %convert_element_type3A_14 = arith.sitofp %convert_element_type3A_13 : vector<256x2048xi32> to vector<256x2048xf32>
    %get3A_15 = arith.constant 0 : index
    %get3A_16 = arith.constant 0 : index
    %get3A_17 = vector.load %arg3[%get3A_15, %get3A_16] : memref<1x2048xf32, #tpu.memory_space<vmem>>, vector<1x2048xf32>
    %mul3A_18 = vector.broadcast %get3A_17 : vector<1x2048xf32> to vector<256x2048xf32>
    %mul3A_19 = arith.mulf %convert_element_type3A_6, %mul3A_18 : vector<256x2048xf32>
    %get3A_20 = arith.constant 0 : index
    %get3A_21 = arith.constant 0 : index
    %get3A_22 = vector.load %arg4[%get3A_20, %get3A_21] : memref<1x2048xf32, #tpu.memory_space<vmem>>, vector<1x2048xf32>
    %mul3A_23 = vector.broadcast %get3A_22 : vector<1x2048xf32> to vector<256x2048xf32>
    %mul3A_24 = arith.mulf %convert_element_type3A_14, %mul3A_23 : vector<256x2048xf32>
    %add3A_25 = arith.addf %mul3A_19, %mul3A_24 : vector<256x2048xf32>
    %reduce_sum3A = arith.constant dense<0.000000e+00> : vector<256xf32>
    %reduce_sum3A_26 = vector.multi_reduction <add>, %add3A_25, %reduce_sum3A [1] : vector<256x2048xf32> to vector<256xf32>
    %broadcast_in_dim3A = vector.shape_cast %reduce_sum3A_26 : vector<256xf32> to vector<256x1xf32>
    %swap3A = arith.constant 0 : index
    %swap3A_27 = arith.constant 0 : index
    %swap3A_28 = vector.load %arg5[%swap3A, %swap3A_27] : memref<256x1xf32, #tpu.memory_space<vmem>>, vector<256x1xf32>
    tpu.vector_store %arg5[%swap3A, %swap3A_27], %broadcast_in_dim3A {strides = array<i32>} : memref<256x1xf32, #tpu.memory_space<vmem>>, vector<256x1xf32>,
    return
  }
  func.func @transform_0(%arg0: i32) -> (i32, i32) {
    %c0_i32 = arith.constant 0 : i32
    %c0_i32_0 = arith.constant 0 : i32
    %c0_i32_1 = arith.constant 0 : i32
    return %c0_i32, %c0_i32_0 : i32, i32
  }
  func.func @transform_1(%arg0: i32) -> (i32, i32) {
    %c0_i32 = arith.constant 0 : i32
    %c0_i32_0 = arith.constant 0 : i32
    %c0_i32_1 = arith.constant 0 : i32
    return %c0_i32, %c0_i32_0 : i32, i32
  }
  func.func @transform_2(%arg0: i32) -> (i32, i32) {
    %c0_i32 = arith.constant 0 : i32
    %c0_i32_0 = arith.constant 0 : i32
    %c0_i32_1 = arith.constant 0 : i32
    return %c0_i32, %c0_i32_0 : i32, i32
  }
  func.func @transform_3(%arg0: i32) -> (i32, i32) {
    %c0_i32 = arith.constant 0 : i32
    %c0_i32_0 = arith.constant 0 : i32
    %c0_i32_1 = arith.constant 0 : i32
    return %c0_i32, %c0_i32_0 : i32, i32
  }
  func.func @transform_4(%arg0: i32) -> (i32, i32) {
    %c0_i32 = arith.constant 0 : i32
    %c0_i32_0 = arith.constant 0 : i32
    return %arg0, %c0_i32 : i32, i32
  }
}

module attributes {stable_mosaic.version = 14 : i64} {
  func.func @_pairsum_body(%arg0: i32, %arg1: memref<256x768xf32, #tpu.memory_space<vmem>>, %arg2: memref<256x768xf32, #tpu.memory_space<vmem>>, %arg3: memref<256x768xf32, #tpu.memory_space<vmem>>) attributes {dimension_semantics = [#tpu.dimension_semantics<arbitrary>], iteration_bounds = array<i64: 8>, scalar_prefetch = 0 : i64, scratch_operands = 0 : i64, tpu.core_type = #tpu.core_type<tc>, window_params = [{transform_indices = @transform_0, window_bounds = array<i64: 256, 768>}, {transform_indices = @transform_1, window_bounds = array<i64: 256, 768>}, {transform_indices = @transform_2, window_bounds = array<i64: 256, 768>}]} {
    %get3A = arith.constant 0 : index
    %get3A_0 = arith.constant 0 : index
    %get3A_1 = vector.load %arg1[%get3A, %get3A_0] : memref<256x768xf32, #tpu.memory_space<vmem>>, vector<256x768xf32>
    %get3A_2 = arith.constant 0 : index
    %get3A_3 = arith.constant 0 : index
    %get3A_4 = vector.load %arg2[%get3A_2, %get3A_3] : memref<256x768xf32, #tpu.memory_space<vmem>>, vector<256x768xf32>
    %add3A = arith.addf %get3A_1, %get3A_4 : vector<256x768xf32>
    %swap3A = arith.constant 0 : index
    %swap3A_5 = arith.constant 0 : index
    %swap3A_6 = vector.load %arg3[%swap3A, %swap3A_5] : memref<256x768xf32, #tpu.memory_space<vmem>>, vector<256x768xf32>
    tpu.vector_store %arg3[%swap3A, %swap3A_5], %add3A {strides = array<i32>} : memref<256x768xf32, #tpu.memory_space<vmem>>, vector<256x768xf32>,
    return
  }
  func.func @transform_0(%arg0: i32) -> (i32, i32) {
    %c0_i32 = arith.constant 0 : i32
    %c0_i32_0 = arith.constant 0 : i32
    return %arg0, %c0_i32 : i32, i32
  }
  func.func @transform_1(%arg0: i32) -> (i32, i32) {
    %c0_i32 = arith.constant 0 : i32
    %c0_i32_0 = arith.constant 0 : i32
    return %arg0, %c0_i32 : i32, i32
  }
  func.func @transform_2(%arg0: i32) -> (i32, i32) {
    %c0_i32 = arith.constant 0 : i32
    %c0_i32_0 = arith.constant 0 : i32
    return %arg0, %c0_i32 : i32, i32
  }
}

module attributes {stable_mosaic.version = 14 : i64} {
  func.func @_expert_body(%arg0: i32, %arg1: memref<24xi32, #tpu.memory_space<smem>>, %arg2: memref<1xi32, #tpu.memory_space<smem>>, %arg3: memref<256x768xf32, #tpu.memory_space<vmem>>, %arg4: memref<1x1536x768xf32, #tpu.memory_space<vmem>>, %arg5: memref<1x1x1536xf32, #tpu.memory_space<vmem>>, %arg6: memref<1x768x1536xf32, #tpu.memory_space<vmem>>, %arg7: memref<1x1x768xf32, #tpu.memory_space<vmem>>, %arg8: memref<1x1x768xf32, #tpu.memory_space<vmem>>, %arg9: memref<256x1xf32, #tpu.memory_space<vmem>>, %arg10: memref<256x768xf32, #tpu.memory_space<vmem>>) attributes {dimension_semantics = [#tpu.dimension_semantics<arbitrary>], iteration_bounds = array<i64: 24>, scalar_prefetch = 2 : i64, scratch_operands = 0 : i64, tpu.core_type = #tpu.core_type<tc>, window_params = [{transform_indices = @transform_0, window_bounds = array<i64: 256, 768>}, {transform_indices = @transform_1, window_bounds = array<i64: 1, 1536, 768>}, {transform_indices = @transform_2, window_bounds = array<i64: 1, 1, 1536>}, {transform_indices = @transform_3, window_bounds = array<i64: 1, 768, 1536>}, {transform_indices = @transform_4, window_bounds = array<i64: 1, 1, 768>}, {transform_indices = @transform_5, window_bounds = array<i64: 1, 1, 768>}, {transform_indices = @transform_6, window_bounds = array<i64: 256, 1>}, {transform_indices = @transform_7, window_bounds = array<i64: 256, 768>}]} {
    %get3A = arith.constant 0 : index
    %get3A_0 = memref.load %arg2[%get3A] : memref<1xi32, #tpu.memory_space<smem>>
    %lt3A = arith.cmpi slt, %arg0, %get3A_0 : i32
    %convert_element_type3A = arith.extui %lt3A : i1 to i32
    %cond3A = arith.constant 0 : i32
    %cond3A_1 = arith.cmpi ne, %convert_element_type3A, %cond3A : i32
    scf.if %cond3A_1 {
      %get3A_2 = arith.constant 0 : index
      %get3A_3 = arith.constant 0 : index
      %get3A_4 = vector.load %arg3[%get3A_2, %get3A_3] : memref<256x768xf32, #tpu.memory_space<vmem>>, vector<256x768xf32>
      %get3A_5 = arith.constant 0 : index
      %get3A_6 = arith.constant 0 : index
      %get3A_7 = arith.constant 0 : index
      %get3A_8 = vector.load %arg8[%get3A_5, %get3A_6, %get3A_7] : memref<1x1x768xf32, #tpu.memory_space<vmem>>, vector<1x1x768xf32>
      %get3A_9 = vector.shape_cast %get3A_8 : vector<1x1x768xf32> to vector<1x768xf32>
      %add3A = vector.broadcast %get3A_9 : vector<1x768xf32> to vector<256x768xf32>
      %add3A_10 = arith.addf %get3A_4, %add3A : vector<256x768xf32>
      %get3A_11 = arith.constant 0 : index
      %get3A_12 = arith.constant 0 : index
      %get3A_13 = arith.constant 0 : index
      %get3A_14 = vector.load %arg4[%get3A_11, %get3A_12, %get3A_13] : memref<1x1536x768xf32, #tpu.memory_space<vmem>>, vector<1x1536x768xf32>
      %get3A_15 = vector.shape_cast %get3A_14 : vector<1x1536x768xf32> to vector<1536x768xf32>
      %dot_general3A = arith.constant dense<0.000000e+00> : vector<256x1536xf32>
      %dot_general3A_16 = tpu.matmul %add3A_10, %get3A_15, %dot_general3A {dimension_numbers = #tpu.dot_dimension_numbers<[1], [1], [0], [0], [0, 0, 1, 0], [], []>, transpose_lhs_hint = false} : vector<256x768xf32>, vector<1536x768xf32>, vector<256x1536xf32> -> vector<256x1536xf32>
      %get3A_17 = arith.constant 0 : index
      %get3A_18 = arith.constant 0 : index
      %get3A_19 = arith.constant 0 : index
      %get3A_20 = vector.load %arg5[%get3A_17, %get3A_18, %get3A_19] : memref<1x1x1536xf32, #tpu.memory_space<vmem>>, vector<1x1x1536xf32>
      %get3A_21 = vector.shape_cast %get3A_20 : vector<1x1x1536xf32> to vector<1x1536xf32>
      %add3A_22 = vector.broadcast %get3A_21 : vector<1x1536xf32> to vector<256x1536xf32>
      %add3A_23 = arith.addf %dot_general3A_16, %add3A_22 : vector<256x1536xf32>
      %mul3A = arith.constant 5.000000e-01 : f32
      %mul3A_24 = vector.broadcast %mul3A : f32 to vector<256x1536xf32>
      %mul3A_25 = arith.mulf %add3A_23, %mul3A_24 : vector<256x1536xf32>
      %mul3A_26 = arith.constant 0.707106769 : f32
      %mul3A_27 = vector.broadcast %mul3A_26 : f32 to vector<256x1536xf32>
      %mul3A_28 = arith.mulf %add3A_23, %mul3A_27 : vector<256x1536xf32>
      %erf3A = math.erf %mul3A_28 : vector<256x1536xf32>
      %add3A_29 = arith.constant 1.000000e+00 : f32
      %add3A_30 = vector.broadcast %add3A_29 : f32 to vector<256x1536xf32>
      %add3A_31 = arith.addf %add3A_30, %erf3A : vector<256x1536xf32>
      %mul3A_32 = arith.mulf %mul3A_25, %add3A_31 : vector<256x1536xf32>
      %get3A_33 = arith.constant 0 : index
      %get3A_34 = arith.constant 0 : index
      %get3A_35 = arith.constant 0 : index
      %get3A_36 = vector.load %arg6[%get3A_33, %get3A_34, %get3A_35] : memref<1x768x1536xf32, #tpu.memory_space<vmem>>, vector<1x768x1536xf32>
      %get3A_37 = vector.shape_cast %get3A_36 : vector<1x768x1536xf32> to vector<768x1536xf32>
      %dot_general3A_38 = arith.constant dense<0.000000e+00> : vector<256x768xf32>
      %dot_general3A_39 = tpu.matmul %mul3A_32, %get3A_37, %dot_general3A_38 {dimension_numbers = #tpu.dot_dimension_numbers<[1], [1], [0], [0], [0, 0, 1, 0], [], []>, transpose_lhs_hint = false} : vector<256x1536xf32>, vector<768x1536xf32>, vector<256x768xf32> -> vector<256x768xf32>
      %add3A_40 = arith.addf %add3A_10, %dot_general3A_39 : vector<256x768xf32>
      %get3A_41 = arith.constant 0 : index
      %get3A_42 = arith.constant 0 : index
      %get3A_43 = arith.constant 0 : index
      %get3A_44 = vector.load %arg7[%get3A_41, %get3A_42, %get3A_43] : memref<1x1x768xf32, #tpu.memory_space<vmem>>, vector<1x1x768xf32>
      %get3A_45 = vector.shape_cast %get3A_44 : vector<1x1x768xf32> to vector<1x768xf32>
      %add3A_46 = vector.broadcast %get3A_45 : vector<1x768xf32> to vector<256x768xf32>
      %add3A_47 = arith.addf %add3A_40, %add3A_46 : vector<256x768xf32>
      %reduce_sum3A = arith.constant dense<0.000000e+00> : vector<256xf32>
      %reduce_sum3A_48 = vector.multi_reduction <add>, %add3A_47, %reduce_sum3A [1] : vector<256x768xf32> to vector<256xf32>
      %broadcast_in_dim3A = vector.shape_cast %reduce_sum3A_48 : vector<256xf32> to vector<256x1xf32>
      %div3A = arith.constant 7.680000e+02 : f32
      %div3A_49 = vector.broadcast %div3A : f32 to vector<256x1xf32>
      %div3A_50 = arith.divf %broadcast_in_dim3A, %div3A_49 : vector<256x1xf32>
      %sub3A = vector.broadcast %div3A_50 : vector<256x1xf32> to vector<256x768xf32>
      %sub3A_51 = arith.subf %add3A_47, %sub3A : vector<256x768xf32>
      %integer_pow3A = arith.mulf %sub3A_51, %sub3A_51 : vector<256x768xf32>
      %reduce_sum3A_52 = arith.constant dense<0.000000e+00> : vector<256xf32>
      %reduce_sum3A_53 = vector.multi_reduction <add>, %integer_pow3A, %reduce_sum3A_52 [1] : vector<256x768xf32> to vector<256xf32>
      %broadcast_in_dim3A_54 = vector.shape_cast %reduce_sum3A_53 : vector<256xf32> to vector<256x1xf32>
      %div3A_55 = arith.constant 7.680000e+02 : f32
      %div3A_56 = vector.broadcast %div3A_55 : f32 to vector<256x1xf32>
      %div3A_57 = arith.divf %broadcast_in_dim3A_54, %div3A_56 : vector<256x1xf32>
      %sub3A_58 = vector.broadcast %div3A_50 : vector<256x1xf32> to vector<256x768xf32>
      %sub3A_59 = arith.subf %add3A_47, %sub3A_58 : vector<256x768xf32>
      %add3A_60 = arith.constant 9.99999974E-6 : f32
      %add3A_61 = vector.broadcast %add3A_60 : f32 to vector<256x1xf32>
      %add3A_62 = arith.addf %div3A_57, %add3A_61 : vector<256x1xf32>
      %rsqrt3A = math.rsqrt %add3A_62 : vector<256x1xf32>
      %mul3A_63 = vector.broadcast %rsqrt3A : vector<256x1xf32> to vector<256x768xf32>
      %mul3A_64 = arith.mulf %sub3A_59, %mul3A_63 : vector<256x768xf32>
      %get3A_65 = arith.constant 0 : index
      %get3A_66 = arith.constant 0 : index
      %get3A_67 = vector.load %arg9[%get3A_65, %get3A_66] : memref<256x1xf32, #tpu.memory_space<vmem>>, vector<256x1xf32>
      %mul3A_68 = vector.broadcast %get3A_67 : vector<256x1xf32> to vector<256x768xf32>
      %mul3A_69 = arith.mulf %mul3A_64, %mul3A_68 : vector<256x768xf32>
      %swap3A = arith.constant 0 : index
      %swap3A_70 = arith.constant 0 : index
      %swap3A_71 = vector.load %arg10[%swap3A, %swap3A_70] : memref<256x768xf32, #tpu.memory_space<vmem>>, vector<256x768xf32>
      tpu.vector_store %arg10[%swap3A, %swap3A_70], %mul3A_69 {strides = array<i32>} : memref<256x768xf32, #tpu.memory_space<vmem>>, vector<256x768xf32>,
    } else {
    }
    return
  }
  func.func @transform_0(%arg0: i32, %arg1: memref<24xi32, #tpu.memory_space<smem>>, %arg2: memref<1xi32, #tpu.memory_space<smem>>) -> (i32, i32) {
    %c0_i32 = arith.constant 0 : i32
    %c0_i32_0 = arith.constant 0 : i32
    return %arg0, %c0_i32 : i32, i32
  }
  func.func @transform_1(%arg0: i32, %arg1: memref<24xi32, #tpu.memory_space<smem>>, %arg2: memref<1xi32, #tpu.memory_space<smem>>) -> (i32, i32, i32) {
    %get3A = arith.index_cast %arg0 : i32 to index
    %get3A_0 = memref.load %arg1[%get3A] : memref<24xi32, #tpu.memory_space<smem>>
    %c0_i32 = arith.constant 0 : i32
    %c0_i32_1 = arith.constant 0 : i32
    %c0_i32_2 = arith.constant 0 : i32
    return %get3A_0, %c0_i32, %c0_i32_1 : i32, i32, i32
  }
  func.func @transform_2(%arg0: i32, %arg1: memref<24xi32, #tpu.memory_space<smem>>, %arg2: memref<1xi32, #tpu.memory_space<smem>>) -> (i32, i32, i32) {
    %get3A = arith.index_cast %arg0 : i32 to index
    %get3A_0 = memref.load %arg1[%get3A] : memref<24xi32, #tpu.memory_space<smem>>
    %c0_i32 = arith.constant 0 : i32
    %c0_i32_1 = arith.constant 0 : i32
    %c0_i32_2 = arith.constant 0 : i32
    return %get3A_0, %c0_i32, %c0_i32_1 : i32, i32, i32
  }
  func.func @transform_3(%arg0: i32, %arg1: memref<24xi32, #tpu.memory_space<smem>>, %arg2: memref<1xi32, #tpu.memory_space<smem>>) -> (i32, i32, i32) {
    %get3A = arith.index_cast %arg0 : i32 to index
    %get3A_0 = memref.load %arg1[%get3A] : memref<24xi32, #tpu.memory_space<smem>>
    %c0_i32 = arith.constant 0 : i32
    %c0_i32_1 = arith.constant 0 : i32
    %c0_i32_2 = arith.constant 0 : i32
    return %get3A_0, %c0_i32, %c0_i32_1 : i32, i32, i32
  }
  func.func @transform_4(%arg0: i32, %arg1: memref<24xi32, #tpu.memory_space<smem>>, %arg2: memref<1xi32, #tpu.memory_space<smem>>) -> (i32, i32, i32) {
    %get3A = arith.index_cast %arg0 : i32 to index
    %get3A_0 = memref.load %arg1[%get3A] : memref<24xi32, #tpu.memory_space<smem>>
    %c0_i32 = arith.constant 0 : i32
    %c0_i32_1 = arith.constant 0 : i32
    %c0_i32_2 = arith.constant 0 : i32
    return %get3A_0, %c0_i32, %c0_i32_1 : i32, i32, i32
  }
  func.func @transform_5(%arg0: i32, %arg1: memref<24xi32, #tpu.memory_space<smem>>, %arg2: memref<1xi32, #tpu.memory_space<smem>>) -> (i32, i32, i32) {
    %get3A = arith.index_cast %arg0 : i32 to index
    %get3A_0 = memref.load %arg1[%get3A] : memref<24xi32, #tpu.memory_space<smem>>
    %c0_i32 = arith.constant 0 : i32
    %c0_i32_1 = arith.constant 0 : i32
    %c0_i32_2 = arith.constant 0 : i32
    return %get3A_0, %c0_i32, %c0_i32_1 : i32, i32, i32
  }
  func.func @transform_6(%arg0: i32, %arg1: memref<24xi32, #tpu.memory_space<smem>>, %arg2: memref<1xi32, #tpu.memory_space<smem>>) -> (i32, i32) {
    %c0_i32 = arith.constant 0 : i32
    %c0_i32_0 = arith.constant 0 : i32
    return %arg0, %c0_i32 : i32, i32
  }
  func.func @transform_7(%arg0: i32, %arg1: memref<24xi32, #tpu.memory_space<smem>>, %arg2: memref<1xi32, #tpu.memory_space<smem>>) -> (i32, i32) {
    %c0_i32 = arith.constant 0 : i32
    %c0_i32_0 = arith.constant 0 : i32
    return %arg0, %c0_i32 : i32, i32
  }
}

</mosaic_0001>

<sc_bundles>
// kernel: sc_combine_gather.3.cloned.1.call-start
scs
__scs_entry_jumppad:
0x0: {  	(pc) =	sbr.rel $0x88, $3  }
0x1: {  	(tag) =	ssettag $0x0;
	lr =	simm.s32 $0x1  }
0x2: {  	[smem:$0x3F99] =	sst lr;
	_ =	strace $0xD0000000  }
0x3: {  	_ = 	snop  }
0x4: {  	_ = 	snop  }
0x5: {  	_ = 	snop  }
0x6: {  	_ = 	snop  }
0x7: {  	_ = 	snop  }
__scs_overlays_trampoline_lowered:
0x8: {  	[smem:$0x3FA8] =	sst s0  }
0x9: {  	[smem:$0x3FA9] =	sst s1  }
0xa: {  	[smem:$0x3FAA] =	sst s2  }
0xb: {  	[smem:$0x3FAB] =	sst s3  }
0xc: {  	[smem:$0x3FAC] =	sst s4  }
0xd: {  	[smem:$0x3FAD] =	sst s5  }
0xe: {  	[smem:$0x3FAE] =	sst s6  }
0xf: {  	[smem:$0x3FAF] =	sst s7  }
0x10: {  	[smem:$0x3FB0] =	sst s8  }
0x11: {  	[smem:$0x3FB1] =	sst s9;
	s0 =	simm.s32 @!p0 $0x0  }
0x12: {  	s1 =	sld [smem:$0x3F97];
	s0 =	simm.s32 @p0 $0x1  }
0x13: {  	[smem:$0x3FB2] =	sst s0;
	s0 =	simm.s32 @!p1 $0x0  }
0x14: {  	s2 =	sld [smem:$0x3F96];
	s0 =	simm.s32 @p1 $0x1  }
0x15: {  	[smem:$0x3FB3] =	sst s0;
	s0 =	simm.s32 @!p2 $0x0  }
0x16: {  	s3 =	sld [smem:$0x3FDB];
	s0 =	simm.s32 @p2 $0x1  }
0x17: {  	s4 =	simm.s32 $0x1BF5;
	[smem:$0x3FB5] =	sst s0  }
0x18: {  	s0 =	sld [smem:$0x3F98];
	_ =	swait.ge [sflag:s4], $0x0  }
0x19: {  	s7 =	sld [smem:$0x3F99]  }
0x1a: {  	s8 =	sadd.s32 $0xFFFFE003, lr  }
0x1b: {  	s9 =	sadd.s32 $0xFFFFFEF7, lr;
	s5 =	simm.s32 $0xFFFFFFFF;
	p2 =	slt.u32 s8, $0xFFFFF086  }
0x1c: {  	p1 =	slt.u32 s9, $0xF7A;
	s5 =	simm.s32 @!p2 $0x0  }
0x1d: {  	s5 =	simm.s32 @p1 $0x1;
	p0 =	seq.s32 s7, s2  }
0x1e: {  	s7 =	smul.u32 @!p0 $0xF7A, s2;
	p2 =	seq.s32 @!p0 s5, $0x0  }
0x1f: {  	s9 =	smul.u32 $0xF7A, s1;
	s8 =	simm.s32 @!p0 $0x1BF5;
	p2 =	por !p2, p0  }
0x20: {  	[sflag:s8] =	ssyncset.s32 @!p0 $0xFFFFF086;
	s6 =	sadd.s32 @!p0 s3, s7;
	s7 =	simm.s32 @!p0 $0x108  }
0x21: {  	s3 =	sadd.s32 s3, s9;
	s6 =	sadd.s32 @!p0 $0x88, s6;
	s7 =	simm.s32 @p2 $0x1082  }
0x22: {  	[simem:s7], [sflag:s8] =	dma.local @!p0 [hbm:s6], $0xF7A  }
0x23: {  	s9 =	sor.u32 $0xD0000000, s2;
	s6 =	simm.s32 $0x108;
	_ =	swait.ge @!p0 [sflag:s8], $0x0  }
0x24: {  	s3 =	sadd.s32 $0x88, s3;
	s6 =	simm.s32 @!p1 $0x1082;
	[sflag:s4] =	ssyncset.s32 $0xFFFFF086  }
0x25: {  	[simem:s6], [sflag:s4] =	dma.local [hbm:s3], $0xF7A  }
0x26: {  	[smem:$0x3F99] =	sst s1;
	(tag) =	ssettag s2;
	_ =	strace s9  }
0x27: {  	s1 =	sld [smem:$0x3FA9]  }
0x28: {  	s2 =	sld [smem:$0x3FAA]  }
0x29: {  	s4 =	sld [smem:$0x3FAC]  }
0x2a: {  	p0 =	seq.s32 s5, $0x0;
	s5 =	sld [smem:$0x3FAD]  }
0x2b: {  	s6 =	sld [smem:$0x3FAE]  }
0x2c: {  	s7 =	sld [smem:$0x3FAF]  }
0x2d: {  	s3 =	simm.s32 $0x108;
	s8 =	sld [smem:$0x3FB0]  }
0x2e: {  	s3 =	simm.s32 @!p0 $0x1082;
	s9 =	sld [smem:$0x3FB1]  }
0x2f: {  	lr =	sadd.s32 s0, s3;
	s0 =	sld [smem:$0x3FA8]  }
0x30: {  	s3 =	sld [smem:$0x3FAB]  }
0x31: {  	[smem:$0x3FB4] =	sst s10  }
0x32: {  	s10 =	sld [smem:$0x3FB2];
	_ =	sdelay $0x3  }
0x33: {  	p0 =	seq.s32 s10, $0x1;
	s10 =	sld [smem:$0x3FB4];
	_ =	sdelay $0x3  }
0x34: {  	[smem:$0x3FB4] =	sst s10  }
0x35: {  	s10 =	sld [smem:$0x3FB3];
	_ =	sdelay $0x3  }
0x36: {  	p1 =	seq.s32 s10, $0x1;
	s10 =	sld [smem:$0x3FB4];
	_ =	sdelay $0x3  }
0x37: {  	[smem:$0x3FB4] =	sst s10  }
0x38: {  	s10 =	sld [smem:$0x3FB5]  }
0x39: {  	_ = 	snop;
	(pc) =	sbr.ind lr, $3  }
0x3a: {  	_ = 	snop  }
0x3b: {  	_ = 	snop  }
0x3c: {  	p2 =	seq.s32 s10, $0x1;
	s10 =	sld [smem:$0x3FB4]  }
0x3d: {  	_ =	shalt  }
0x3e: {  	_ =	shalt  }
0x3f: {  	_ =	shalt  }
0x40: {  	_ =	shalt  }
0x41: {  	_ =	shalt  }
0x42: {  	_ =	shalt  }
0x43: {  	_ =	shalt  }
0x44: {  	_ =	shalt  }
0x45: {  	_ =	shalt  }
0x46: {  	_ =	shalt  }
0x47: {  	_ =	shalt  }
0x48: {  	_ =	shalt  }
0x49: {  	_ =	shalt  }
0x4a: {  	_ =	shalt  }
0x4b: {  	_ =	shalt  }
0x4c: {  	_ =	shalt  }
0x4d: {  	_ =	shalt  }
0x4e: {  	_ =	shalt  }
0x4f: {  	_ =	shalt  }
0x50: {  	_ =	shalt  }
0x51: {  	_ =	shalt  }
0x52: {  	_ =	shalt  }
0x53: {  	_ =	shalt  }
0x54: {  	_ =	shalt  }
0x55: {  	_ =	shalt  }
0x56: {  	_ =	shalt  }
0x57: {  	_ =	shalt  }
0x58: {  	_ =	shalt  }
0x59: {  	_ =	shalt  }
0x5a: {  	_ =	shalt  }
0x5b: {  	_ =	shalt  }
0x5c: {  	_ =	shalt  }
0x5d: {  	_ =	shalt  }
0x5e: {  	_ =	shalt  }
0x5f: {  	_ =	shalt  }
0x60: {  	_ =	shalt  }
0x61: {  	_ =	shalt  }
0x62: {  	_ =	shalt  }
0x63: {  	_ =	shalt  }
0x64: {  	_ =	shalt  }
0x65: {  	_ =	shalt  }
0x66: {  	_ =	shalt  }
0x67: {  	_ =	shalt  }
0x68: {  	_ =	shalt  }
0x69: {  	_ =	shalt  }
0x6a: {  	_ =	shalt  }
0x6b: {  	_ =	shalt  }
0x6c: {  	_ =	shalt  }
0x6d: {  	_ =	shalt  }
0x6e: {  	_ =	shalt  }
0x6f: {  	_ =	shalt  }
0x70: {  	_ =	shalt  }
0x71: {  	_ =	shalt  }
0x72: {  	_ =	shalt  }
0x73: {  	_ =	shalt  }
0x74: {  	_ =	shalt  }
0x75: {  	_ =	shalt  }
0x76: {  	_ =	shalt  }
0x77: {  	_ =	shalt  }
0x78: {  	_ =	shalt  }
0x79: {  	_ =	shalt  }
0x7a: {  	_ =	shalt  }
0x7b: {  	_ =	shalt  }
0x7c: {  	_ =	shalt  }
0x7d: {  	_ =	shalt  }
0x7e: {  	_ =	shalt  }
0x7f: {  	_ =	shalt  }
0x80: {  	_ =	shalt  }
0x81: {  	_ =	shalt  }
0x82: {  	_ =	shalt  }
0x83: {  	_ =	shalt  }
0x84: {  	_ =	shalt  }
0x85: {  	_ =	shalt  }
0x86: {  	_ =	shalt  }
0x87: {  	_ =	shalt  }
.Lfunc_end0:
.L_simem_size_0:
called_computation.1_lowered:
.L_overlay_start_0:
0x88: {  	s2 =	sld [smem:$0x3FD9]  }
0x89: {  	s3 =	sld [smem:$0x3FFE];
	_ =	sdelay $0x1  }
0x8a: {  	s1 =	srdreg.scid  }
0x8b: {  	s0 =	sand.u32 $0x1, s1  }
0x8c: {  	s17 =	sshll.u32 s0, $0xA;
	s2 =	sadd.s32 s3, s2  }
0x8d: {  	s2 =	sadd.s32 s2, s17  }
0x8e: {  	[smem:$0x3FC0] =	sst s2  }
0x8f: {  	_ = 	snop  }
0x90: {  	s2 =	sld [smem:$0x3FD0];
	(tm) =	ssettm $0x1  }
0x91: {  	s18 =	sld [smem:$0x3FFB];
	_ =	sdelay $0x3  }
0x92: {  	_ =	strace s18  }
0x93: {  	s3 =	sld [smem:$0x3FFC];
	_ =	sdelay $0x3  }
0x94: {  	_ =	strace s3  }
0x95: {  	s3 =	sld [smem:$0x3FFD];
	_ =	sdelay $0x3  }
0x96: {  	_ =	strace s3  }
0x97: {  	_ =	strace $0x8FFFFFFF  }
0x98: {  	s19 =	sld [smem:$0x3FDB];
	_ =	sdelay $0x1  }
0x99: {  	s4 =	simm.s32 $_scs_section_size  }
0x9a: {  	s5 =	simm.s32 $_size__tile_overlayer_lowered;
	s6 =	simm.s32 $_tile_overlayer_lowered  }
0x9b: {  	s22 =	simm.s32 $0x1BFF;
	s21 =	sshll.u32 s6, $0x1;
	s3 =	sadd.s32 s4, s19  }
0x9c: {  	s7 =	simm.s32 $0x0;
	s20 =	sshll.u32 s5, $0x1;
	s5 =	sadd.s32 s21, s3  }
0x9d: {  	[timem:s7], [sflag:s22] =	dma.local [hbm:s5], s20  }
0x9e: {  	_ =	swait.ge [sflag:s22], s20  }
0x9f: {  	s4 =	ssub.s32 $0x0, s20;
	[sflag:s22] =	ssyncset.done $0x0  }
0xa0: {  	[sflag:s22] =	ssyncadd.s32 s4;
	_ =	sdelay $0x1  }
0xa1: {  	s23 =	simm.s32 $0x1B8B  }
0xa2: {  	_ =	swait.ge [sflag:s23], $0x1  }
0xa3: {  	[sflag:s23] =	ssyncset.done $0x0  }
0xa4: {  	s25 =	simm.s32 $0x1B8E;
	s24 =	sld [smem:$0x3FFE];
	[sflag:s23] =	ssyncadd.s32 $0xFFFFFFFF  }
0xa5: {  	s26 =	simm.s32 $execute0_lowered;
	[smem:$0x3FD2] =	sst s25  }
0xa6: {  	s5 =	sshll.u32 s26, $0x1;
	_ =	strace $0x80000049;
	[dreg:$0x1] =	wrdreg $0xFFFFFFFF  }
0xa7: {  	s28 =	simm.s32 $_size_execute0_lowered;
	s3 =	sadd.s32 s3, s5;
	[dreg:$0x0] =	wrdreg $0x0  }
0xa8: {  	s5 =	sshll.u32 s28, $0x1;
	[dreg:$0x2] =	wrdreg s3  }
0xa9: {  	[dreg:$0x3] =	wrdreg s5  }
0xaa: {  	[dreg:$0x4] =	wrdreg $0xC0  }
0xab: {  	_ =	task [dreg:s7], $0x5FFFF  }
0xac: {  	[dreg:$0x1] =	wrdreg $0xFFFFFFFF  }
0xad: {  	[dreg:$0x0] =	wrdreg $0x60  }
0xae: {  	[dreg:$0x2] =	wrdreg s24  }
0xaf: {  	[dreg:$0x3] =	wrdreg s2  }
0xb0: {  	[dreg:$0x4] =	wrdreg $0x9  }
0xb1: {  	_ =	task.clear_ibuf [dreg:s7], $0x5FFFF;
	_ =	strace $0x90000049  }
0xb2: {  	s29 =	simm.s32 $0x9;
	_ =	strace $0x8000004B  }
0xb3: {  	_ =	swait.ge [sflag:s29], $0x1  }
0xb4: {  	[sflag:s29] =	ssyncadd.s32 $0xFFFFFFFF  }
0xb5: {  	_ =	strace $0x9000004B  }
0xb6: {  	_ =	sfence  }
0xb7: {  	s30 =	sld [smem:$0x0];
	_ =	sdelay $0x2  }
0xb8: {  	s31 =	sshll.u32 s1, $0xD;
	s1 =	sshrl.u32 s1, $0x2  }
0xb9: {  	s3 =	sand.u32 $0x4000, s31;
	s1 =	sadd.s32 s1, s30  }
0xba: {  	s0 =	sor.u32 s3, s0;
	s1 =	sshll.u32 s1, $0x11  }
0xbb: {  	s0 =	sor.u32 s1, s0  }
0xbc: {  	s0 =	sadd.s32 $0x8F2B, s0  }
0xbd: {  	[sflag:s0] =	ssyncadd.remote.s32 $0x1  }
0xbe: {  	_ =	sfence.sel $0xFFFF  }
0xbf: {  	[dreg:$0x0] =	wrdreg $0xFFFFFFFF;
	(pc) =	sbr.abs _section_cstart, $3  }
0xc0: {  	[dreg:$0x1] =	wrdreg $0xFFFFFFFF  }
0xc1: {  	_ =	task.clear_ibuf [dreg:s7], $0x2FFFF;
	_ =	strace $0x9FFFFFFF  }
0xc2: {  	(tm) =	ssettm $0x7FFFFFFF  }
0xc3: {  	_ =	shalt  }
tec
execute0_lowered:
.L_overlay_start_1:
0x0: {  	(tag) =	ssettag $0x1  }
0x1: {  	s2 =	srdreg.scid;
	s1 =	rddreg [dreg:$0x0]  }
0x2: {  	s3 =	rddreg [dreg:$0x1];
	s4 =	sand.u32 $0x1, s2;
	s2 =	simm.s32 $0x0  }
0x3: {  	s20 =	simm.s32 $0x80;
	[smem:$0x7FF] =	sst s2  }
0x4: {  	s21 =	simm.s32 $0x900;
	_ =	strace $0x8000004A;
	[dreg:$0x7] =	wrdreg s20  }
0x5: {  	s22 =	simm.s32 $0x1100;
	[dreg:$0x8] =	wrdreg s21  }
0x6: {  	s23 =	simm.s32 $0x1900;
	[dreg:$0x9] =	wrdreg s22  }
0x7: {  	s24 =	simm.s32 $0x2100;
	[dreg:$0xa] =	wrdreg s23  }
0x8: {  	s25 =	simm.s32 $0x2900;
	[dreg:$0xb] =	wrdreg s24  }
0x9: {  	s0 =	stileid.u32;
	s26 =	simm.s32 $0x3100;
	[dreg:$0xc] =	wrdreg s25  }
0xa: {  	s5 =	sshll.u32 s0, $0x4;
	s0 =	simm.s32 $0x3900;
	[dreg:$0xd] =	wrdreg s26  }
0xb: {  	s8 =	simm.s32 $0x5900;
	[dreg:$0xe] =	wrdreg s0  }
0xc: {  	s9 =	simm.s32 $0x6100;
	[dreg:$0x12] =	wrdreg s8  }
0xd: {  	s10 =	simm.s32 $0x6900;
	[dreg:$0x13] =	wrdreg s9  }
0xe: {  	s11 =	simm.s32 $0x7100;
	s12 =	simm.s32 $0x7900;
	[dreg:$0x14] =	wrdreg s10  }
0xf: {  	s13 =	simm.s32 $0x8100;
	s14 =	simm.s32 $0x8900;
	[dreg:$0x15] =	wrdreg s11  }
0x10: {  	s15 =	simm.s32 $0x9100;
	s16 =	simm.s32 $0x9900;
	[dreg:$0x16] =	wrdreg s12  }
0x11: {  	s17 =	simm.s32 $0xA100;
	s28 =	simm.s32 $0x17900;
	[dreg:$0x17] =	wrdreg s13  }
0x12: {  	s29 =	simm.s32 $0x1;
	s30 =	simm.s32 $0x2;
	[dreg:$0x18] =	wrdreg s14  }
0x13: {  	s31 =	simm.s32 $0x3;
	s6 =	sshll.u32 s4, $0x3;
	[dreg:$0x19] =	wrdreg s15  }
0x14: {  	s4 =	ssub.s32 $0x2, s4;
	s5 =	sor.u32 s6, s5;
	[dreg:$0x1a] =	wrdreg s16  }
0x15: {  	[dreg:$0x1b] =	wrdreg s17;
	s20 =	simm.s32 $0xB100;
	s21 =	simm.s32 $0xB900  }
0x16: {  	s22 =	simm.s32 $0xC900;
	s23 =	simm.s32 $0xD100;
	s24 =	simm.s32 $0xD900  }
0x17: {  	s25 =	simm.s32 $0xE100;
	s8 =	simm.s32 $0x100;
	[dreg:$0x1d] =	wrdreg s20  }
0x18: {  	s26 =	simm.s32 $0xE900;
	s9 =	simm.s32 $0xC100;
	[dreg:$0x1e] =	wrdreg s21  }
0x19: {  	s11 =	simm.s32 $0xF900;
	s12 =	simm.s32 $0x10100;
	[dreg:$0x1f] =	wrdreg s22  }
0x1a: {  	s13 =	simm.s32 $0x10900;
	s14 =	simm.s32 $0x11100;
	[smem:$0x7FA] =	sst s23  }
0x1b: {  	s15 =	simm.s32 $0x11900;
	s16 =	simm.s32 $0x12100;
	[smem:$0x7FB] =	sst s24  }
0x1c: {  	s17 =	simm.s32 $0x12900;
	s6 =	sadd.s32 s5, s1;
	[smem:$0x7FC] =	sst s25  }
0x1d: {  	s5 =	smul.u32 $0x300, s5;
	[smem:$0x7FD] =	sst s26;
	s20 =	simm.s32 $0x14100  }
0x1e: {  	s21 =	simm.s32 $0x14900;
	s22 =	simm.s32 $0x15100;
	s7 =	sadd.s32 $0x1200, s6  }
0x1f: {  	s23 =	simm.s32 $0x15900;
	s6 =	sadd.s32 $0x1400, s6;
	[dreg:$0x3] =	wrdreg s7  }
0x20: {  	s24 =	simm.s32 $0x16100;
	[dreg:$0x4] =	wrdreg s6;
	s3 =	sadd.s32 s3, s5  }
0x21: {  	s18 =	sadd.s32 s5, s1;
	s5 =	simm.s32 $0x4100;
	[dreg:$0x5] =	wrdreg s3  }
0x22: {  	s25 =	simm.s32 $0x16900;
	s6 =	simm.s32 $0x4900;
	[dreg:$0xf] =	wrdreg s5  }
0x23: {  	s26 =	simm.s32 $0x17100;
	s7 =	simm.s32 $0x5100;
	[dreg:$0x10] =	wrdreg s6  }
0x24: {  	s19 =	sadd.s32 $0x91600, s18;
	[dreg:$0x11] =	wrdreg s7;
	s3 =	sadd.s32 $0x1600, s1  }
0x25: {  	s18 =	simm.s32 $0xA900;
	s5 =	sadd.s32 $0x1800, s1;
	[dreg:$0x6] =	wrdreg s19  }
0x26: {  	v2 =	vlaneseq.u32;
	s7 =	simm.s32 $0x5;
	s19 =	sshrl.u32 s4, $0x1;
	[dreg:$0x1c] =	wrdreg s18  }
0x27: {  	vm0 =	vmmov $0xffff;
	v1 =	vshrl.u32 v2, $0x3;
	s18 =	simm.s32 $0x13100;
	s6 =	ssub.s32 s4, s19;
	s4 =	sadd.s32 $0x1700, s1  }
0x28: {  	v0 =	vand.u32 $0x7, v2;
	v2 =	vor.u32 $0x8, v2;
	v1 =	vmul.u32 $0x8, v1;
	s19 =	simm.s32 $0x13900;
	s1 =	simm.s32 $0x4;
	s6 =	smax.u32 s6, $0x1  }
.LBB2_1:
0x29: {  	s0 =	rddreg [dreg:$0x3]  }
0x2a: {  	[tilespmem:s2], [sflag:$0x5] =	stream.linear.gather [hbm4b:s0+s2], $0x40, $0x38;
	[tilespmem:$0x18100] =	vst v63  }
0x2b: {  	_ =	swait.ge [sflag:s7], $0x40  }
0x2c: {  	s0 =	rddreg [dreg:$0x4];
	[sflag:s7] =	ssyncset.done $0x0  }
0x2d: {  	s10 =	rddreg [dreg:$0x7];
	[sflag:s7] =	ssyncadd.s32 $0xFFFFFFC0  }
0x2e: {  	[tilespmem:s10], [sflag:$0x5] =	stream.linear.gather [hbm4b:s0+s2], $0x40, $0x38;
	[tilespmem:$0x18100] =	vst v63  }
0x2f: {  	_ =	swait.ge [sflag:s7], $0x40  }
0x30: {  	[sflag:s7] =	ssyncset.done $0x0  }
0x31: {  	[sflag:s7] =	ssyncadd.s32 $0xFFFFFFC0  }
0x32: {  	v3 =	vld [tilespmem:$0x0];
	_ =	sdelay $0x4  }
0x33: {  	v4 =	vshrl.u32 v3, $0x3  }
0x34: {  	v4 =	vmul.u32 $0x30, v4  }
0x35: {  	v3 =	vand.u32 $0x7, v3  }
0x36: {  	v3 =	vor.u32 v3, v4  }
0x37: {  	v4 =	vperm.xlane v3, v0;
	_ =	sdelay $0x1  }
0x38: {  	v4 =	vadd.s32 v1, v4;
	_ =	sdelay $0x3  }
0x39: {  	v3 =	vperm.xlane v3, v2  }
0x3a: {  	[tilespmem:s8], [sflag:$0x1] =	stream.indirect_vreg.gather [hbm4b:s3+s2], $0x80, v4, vm0, $0xb8;
	[tilespmem:$0x18100] =	vst v63  }
0x3b: {  	s0 =	rddreg [dreg:$0x8];
	v3 =	vadd.s32 v1, v3  }
0x3c: {  	[tilespmem:s0], [sflag:$0x1] =	stream.indirect_vreg.gather [hbm4b:s4+s2], $0x80, v4, vm0, $0xb8;
	[tilespmem:$0x18100] =	vst v63  }
0x3d: {  	s10 =	rddreg [dreg:$0x9]  }
0x3e: {  	[tilespmem:s10], [sflag:$0x1] =	stream.indirect_vreg.gather [hbm4b:s5+s2], $0x80, v4, vm0, $0xb8;
	[tilespmem:$0x18100] =	vst v63  }
0x3f: {  	s0 =	rddreg [dreg:$0xa]  }
0x40: {  	[tilespmem:s0], [sflag:$0x1] =	stream.indirect_vreg.gather [hbm4b:s3+s2], $0x80, v3, vm0, $0xb8;
	[tilespmem:$0x18100] =	vst v63  }
0x41: {  	s10 =	rddreg [dreg:$0xb]  }
0x42: {  	[tilespmem:s10], [sflag:$0x1] =	stream.indirect_vreg.gather [hbm4b:s4+s2], $0x80, v3, vm0, $0xb8;
	[tilespmem:$0x18100] =	vst v63  }
0x43: {  	s0 =	rddreg [dreg:$0xc]  }
0x44: {  	[tilespmem:s0], [sflag:$0x1] =	stream.indirect_vreg.gather [hbm4b:s5+s2], $0x80, v3, vm0, $0xb8;
	[tilespmem:$0x18100] =	vst v63  }
0x45: {  	v3 =	vld [tilespmem:$0x10];
	_ =	sdelay $0x4  }
0x46: {  	v57 =	vshrl.u32 v3, $0x3  }
0x47: {  	v4 =	vmul.u32 $0x30, v57  }
0x48: {  	v3 =	vand.u32 $0x7, v3  }
0x49: {  	v3 =	vor.u32 v3, v4  }
0x4a: {  	v4 =	vperm.xlane v3, v0;
	_ =	sdelay $0x1  }
0x4b: {  	v4 =	vadd.s32 v1, v4;
	_ =	sdelay $0x3  }
0x4c: {  	s0 =	rddreg [dreg:$0xd];
	v3 =	vperm.xlane v3, v2  }
0x4d: {  	[tilespmem:s0], [sflag:$0x1] =	stream.indirect_vreg.gather [hbm4b:s3+s2], $0x80, v4, vm0, $0xb8;
	[tilespmem:$0x18100] =	vst v63  }
0x4e: {  	s10 =	rddreg [dreg:$0xe];
	v3 =	vadd.s32 v1, v3  }
0x4f: {  	[tilespmem:s10], [sflag:$0x1] =	stream.indirect_vreg.gather [hbm4b:s4+s2], $0x80, v4, vm0, $0xb8;
	[tilespmem:$0x18100] =	vst v63  }
0x50: {  	s0 =	rddreg [dreg:$0xf]  }
0x51: {  	[tilespmem:s0], [sflag:$0x1] =	stream.indirect_vreg.gather [hbm4b:s5+s2], $0x80, v4, vm0, $0xb8;
	[tilespmem:$0x18100] =	vst v63  }
0x52: {  	s10 =	rddreg [dreg:$0x10]  }
0x53: {  	[tilespmem:s10], [sflag:$0x1] =	stream.indirect_vreg.gather [hbm4b:s3+s2], $0x80, v3, vm0, $0xb8;
	[tilespmem:$0x18100] =	vst v63  }
0x54: {  	s0 =	rddreg [dreg:$0x11]  }
0x55: {  	[tilespmem:s0], [sflag:$0x1] =	stream.indirect_vreg.gather [hbm4b:s4+s2], $0x80, v3, vm0, $0xb8;
	[tilespmem:$0x18100] =	vst v63  }
0x56: {  	s10 =	rddreg [dreg:$0x12]  }
0x57: {  	[tilespmem:s10], [sflag:$0x1] =	stream.indirect_vreg.gather [hbm4b:s5+s2], $0x80, v3, vm0, $0xb8;
	[tilespmem:$0x18100] =	vst v63  }
0x58: {  	v3 =	vld [tilespmem:$0x20];
	_ =	sdelay $0x4  }
0x59: {  	v58 =	vshrl.u32 v3, $0x3  }
0x5a: {  	v4 =	vmul.u32 $0x30, v58  }
0x5b: {  	v3 =	vand.u32 $0x7, v3  }
0x5c: {  	v3 =	vor.u32 v3, v4  }
0x5d: {  	v4 =	vperm.xlane v3, v0;
	_ =	sdelay $0x1  }
0x5e: {  	v4 =	vadd.s32 v1, v4;
	_ =	sdelay $0x3  }
0x5f: {  	s0 =	rddreg [dreg:$0x13];
	v3 =	vperm.xlane v3, v2  }
0x60: {  	[tilespmem:s0], [sflag:$0x1] =	stream.indirect_vreg.gather [hbm4b:s3+s2], $0x80, v4, vm0, $0xb8;
	[tilespmem:$0x18100] =	vst v63  }
0x61: {  	s10 =	rddreg [dreg:$0x14];
	v3 =	vadd.s32 v1, v3  }
0x62: {  	[tilespmem:s10], [sflag:$0x1] =	stream.indirect_vreg.gather [hbm4b:s4+s2], $0x80, v4, vm0, $0xb8;
	[tilespmem:$0x18100] =	vst v63  }
0x63: {  	s0 =	rddreg [dreg:$0x15]  }
0x64: {  	[tilespmem:s0], [sflag:$0x1] =	stream.indirect_vreg.gather [hbm4b:s5+s2], $0x80, v4, vm0, $0xb8;
	[tilespmem:$0x18100] =	vst v63  }
0x65: {  	s10 =	rddreg [dreg:$0x16]  }
0x66: {  	[tilespmem:s10], [sflag:$0x1] =	stream.indirect_vreg.gather [hbm4b:s3+s2], $0x80, v3, vm0, $0xb8;
	[tilespmem:$0x18100] =	vst v63  }
0x67: {  	s0 =	rddreg [dreg:$0x17]  }
0x68: {  	[tilespmem:s0], [sflag:$0x1] =	stream.indirect_vreg.gather [hbm4b:s4+s2], $0x80, v3, vm0, $0xb8;
	[tilespmem:$0x18100] =	vst v63  }
0x69: {  	s10 =	rddreg [dreg:$0x18]  }
0x6a: {  	[tilespmem:s10], [sflag:$0x1] =	stream.indirect_vreg.gather [hbm4b:s5+s2], $0x80, v3, vm0, $0xb8;
	[tilespmem:$0x18100] =	vst v63  }
0x6b: {  	v3 =	vld [tilespmem:$0x30];
	_ =	sdelay $0x4  }
0x6c: {  	v59 =	vshrl.u32 v3, $0x3  }
0x6d: {  	v4 =	vmul.u32 $0x30, v59  }
0x6e: {  	v3 =	vand.u32 $0x7, v3  }
0x6f: {  	v3 =	vor.u32 v3, v4  }
0x70: {  	v4 =	vperm.xlane v3, v0;
	_ =	sdelay $0x1  }
0x71: {  	v4 =	vadd.s32 v1, v4;
	_ =	sdelay $0x3  }
0x72: {  	s0 =	rddreg [dreg:$0x19];
	v3 =	vperm.xlane v3, v2  }
0x73: {  	[tilespmem:s0], [sflag:$0x1] =	stream.indirect_vreg.gather [hbm4b:s3+s2], $0x80, v4, vm0, $0xb8;
	[tilespmem:$0x18100] =	vst v63  }
0x74: {  	s10 =	rddreg [dreg:$0x1a];
	v3 =	vadd.s32 v1, v3  }
0x75: {  	[tilespmem:s10], [sflag:$0x1] =	stream.indirect_vreg.gather [hbm4b:s4+s2], $0x80, v4, vm0, $0xb8;
	[tilespmem:$0x18100] =	vst v63  }
0x76: {  	s0 =	rddreg [dreg:$0x1b]  }
0x77: {  	[tilespmem:s0], [sflag:$0x1] =	stream.indirect_vreg.gather [hbm4b:s5+s2], $0x80, v4, vm0, $0xb8;
	[tilespmem:$0x18100] =	vst v63  }
0x78: {  	s10 =	rddreg [dreg:$0x1c]  }
0x79: {  	[tilespmem:s10], [sflag:$0x1] =	stream.indirect_vreg.gather [hbm4b:s3+s2], $0x80, v3, vm0, $0xb8;
	[tilespmem:$0x18100] =	vst v63  }
0x7a: {  	s0 =	rddreg [dreg:$0x1d]  }
0x7b: {  	[tilespmem:s0], [sflag:$0x1] =	stream.indirect_vreg.gather [hbm4b:s4+s2], $0x80, v3, vm0, $0xb8;
	[tilespmem:$0x18100] =	vst v63  }
0x7c: {  	s10 =	rddreg [dreg:$0x1e]  }
0x7d: {  	[tilespmem:s10], [sflag:$0x1] =	stream.indirect_vreg.gather [hbm4b:s5+s2], $0x80, v3, vm0, $0xb8;
	[tilespmem:$0x18100] =	vst v63  }
0x7e: {  	v3 =	vld [tilespmem:$0x80];
	_ =	sdelay $0x4  }
0x7f: {  	v60 =	vshrl.u32 v3, $0x3  }
0x80: {  	v4 =	vmul.u32 $0x30, v60  }
0x81: {  	v3 =	vand.u32 $0x7, v3  }
0x82: {  	v3 =	vor.u32 v3, v4  }
0x83: {  	v4 =	vperm.xlane v3, v0;
	_ =	sdelay $0x1  }
0x84: {  	v4 =	vadd.s32 v1, v4;
	_ =	sdelay $0x3  }
0x85: {  	s0 =	rddreg [dreg:$0x1f];
	v3 =	vperm.xlane v3, v2  }
0x86: {  	[tilespmem:s9], [sflag:$0x2] =	stream.indirect_vreg.gather [hbm4b:s3+s2], $0x80, v4, vm0, $0xb8;
	[tilespmem:$0x18100] =	vst v63  }
0x87: {  	s10 =	sld [smem:$0x7FA];
	v3 =	vadd.s32 v1, v3  }
0x88: {  	[tilespmem:s0], [sflag:$0x2] =	stream.indirect_vreg.gather [hbm4b:s4+s2], $0x80, v4, vm0, $0xb8;
	[tilespmem:$0x18100] =	vst v63  }
0x89: {  	s0 =	sld [smem:$0x7FB]  }
0x8a: {  	[tilespmem:s10], [sflag:$0x2] =	stream.indirect_vreg.gather [hbm4b:s5+s2], $0x80, v4, vm0, $0xb8;
	[tilespmem:$0x18100] =	vst v63  }
0x8b: {  	s10 =	sld [smem:$0x7FC]  }
0x8c: {  	[tilespmem:s0], [sflag:$0x2] =	stream.indirect_vreg.gather [hbm4b:s3+s2], $0x80, v3, vm0, $0xb8;
	[tilespmem:$0x18100] =	vst v63  }
0x8d: {  	s0 =	sld [smem:$0x7FD]  }
0x8e: {  	[tilespmem:s10], [sflag:$0x2] =	stream.indirect_vreg.gather [hbm4b:s4+s2], $0x80, v3, vm0, $0xb8;
	[tilespmem:$0x18100] =	vst v63  }
0x8f: {  	_ = 	snop  }
0x90: {  	[tilespmem:s0], [sflag:$0x2] =	stream.indirect_vreg.gather [hbm4b:s5+s2], $0x80, v3, vm0, $0xb8;
	[tilespmem:$0x18100] =	vst v63  }
0x91: {  	v3 =	vld [tilespmem:$0x90];
	_ =	sdelay $0x4  }
0x92: {  	v61 =	vshrl.u32 v3, $0x3  }
0x93: {  	v4 =	vmul.u32 $0x30, v61  }
0x94: {  	v3 =	vand.u32 $0x7, v3  }
0x95: {  	v3 =	vor.u32 v3, v4  }
0x96: {  	v4 =	vperm.xlane v3, v0;
	_ =	sdelay $0x1  }
0x97: {  	v4 =	vadd.s32 v1, v4;
	_ =	sdelay $0x3  }
0x98: {  	s10 =	simm.s32 $0xF100;
	v3 =	vperm.xlane v3, v2  }
0x99: {  	[tilespmem:s10], [sflag:$0x2] =	stream.indirect_vreg.gather [hbm4b:s3+s2], $0x80, v4, vm0, $0xb8;
	[tilespmem:$0x18100] =	vst v63  }
0x9a: {  	v3 =	vadd.s32 v1, v3  }
0x9b: {  	[tilespmem:s11], [sflag:$0x2] =	stream.indirect_vreg.gather [hbm4b:s4+s2], $0x80, v4, vm0, $0xb8;
	[tilespmem:$0x18100] =	vst v63  }
0x9c: {  	_ = 	snop  }
0x9d: {  	[tilespmem:s12], [sflag:$0x2] =	stream.indirect_vreg.gather [hbm4b:s5+s2], $0x80, v4, vm0, $0xb8;
	[tilespmem:$0x18100] =	vst v63  }
0x9e: {  	_ = 	snop  }
0x9f: {  	[tilespmem:s13], [sflag:$0x2] =	stream.indirect_vreg.gather [hbm4b:s3+s2], $0x80, v3, vm0, $0xb8;
	[tilespmem:$0x18100] =	vst v63  }
0xa0: {  	_ = 	snop  }
0xa1: {  	[tilespmem:s14], [sflag:$0x2] =	stream.indirect_vreg.gather [hbm4b:s4+s2], $0x80, v3, vm0, $0xb8;
	[tilespmem:$0x18100] =	vst v63  }
0xa2: {  	_ = 	snop  }
0xa3: {  	[tilespmem:s15], [sflag:$0x2] =	stream.indirect_vreg.gather [hbm4b:s5+s2], $0x80, v3, vm0, $0xb8;
	[tilespmem:$0x18100] =	vst v63  }
0xa4: {  	v3 =	vld [tilespmem:$0xA0];
	_ =	sdelay $0x4  }
0xa5: {  	v62 =	vshrl.u32 v3, $0x3  }
0xa6: {  	v4 =	vmul.u32 $0x30, v62  }
0xa7: {  	v3 =	vand.u32 $0x7, v3  }
0xa8: {  	v3 =	vor.u32 v3, v4  }
0xa9: {  	v4 =	vperm.xlane v3, v0;
	_ =	sdelay $0x1  }
0xaa: {  	v4 =	vadd.s32 v1, v4;
	_ =	sdelay $0x3  }
0xab: {  	v3 =	vperm.xlane v3, v2  }
0xac: {  	[tilespmem:s16], [sflag:$0x2] =	stream.indirect_vreg.gather [hbm4b:s3+s2], $0x80, v4, vm0, $0xb8;
	[tilespmem:$0x18100] =	vst v63  }
0xad: {  	v3 =	vadd.s32 v1, v3  }
0xae: {  	[tilespmem:s17], [sflag:$0x2] =	stream.indirect_vreg.gather [hbm4b:s4+s2], $0x80, v4, vm0, $0xb8;
	[tilespmem:$0x18100] =	vst v63  }
0xaf: {  	_ = 	snop  }
0xb0: {  	[tilespmem:s18], [sflag:$0x2] =	stream.indirect_vreg.gather [hbm4b:s5+s2], $0x80, v4, vm0, $0xb8;
	[tilespmem:$0x18100] =	vst v63  }
0xb1: {  	_ = 	snop  }
0xb2: {  	[tilespmem:s19], [sflag:$0x2] =	stream.indirect_vreg.gather [hbm4b:s3+s2], $0x80, v3, vm0, $0xb8;
	[tilespmem:$0x18100] =	vst v63  }
0xb3: {  	_ = 	snop  }
0xb4: {  	[tilespmem:s20], [sflag:$0x2] =	stream.indirect_vreg.gather [hbm4b:s4+s2], $0x80, v3, vm0, $0xb8;
	[tilespmem:$0x18100] =	vst v63  }
0xb5: {  	_ = 	snop  }
0xb6: {  	[tilespmem:s21], [sflag:$0x2] =	stream.indirect_vreg.gather [hbm4b:s5+s2], $0x80, v3, vm0, $0xb8;
	[tilespmem:$0x18100] =	vst v63  }
0xb7: {  	v3 =	vld [tilespmem:$0xB0];
	_ =	sdelay $0x4  }
0xb8: {  	v63 =	vshrl.u32 v3, $0x3  }
0xb9: {  	v4 =	vmul.u32 $0x30, v63  }
0xba: {  	v3 =	vand.u32 $0x7, v3  }
0xbb: {  	v3 =	vor.u32 v3, v4  }
0xbc: {  	v4 =	vperm.xlane v3, v0;
	_ =	sdelay $0x1  }
0xbd: {  	v4 =	vadd.s32 v1, v4;
	_ =	sdelay $0x3  }
0xbe: {  	v3 =	vperm.xlane v3, v2  }
0xbf: {  	[tilespmem:s22], [sflag:$0x2] =	stream.indirect_vreg.gather [hbm4b:s3+s2], $0x80, v4, vm0, $0xb8;
	[tilespmem:$0x18100] =	vst v63  }
0xc0: {  	v3 =	vadd.s32 v1, v3  }
0xc1: {  	[tilespmem:s23], [sflag:$0x2] =	stream.indirect_vreg.gather [hbm4b:s4+s2], $0x80, v4, vm0, $0xb8;
	[tilespmem:$0x18100] =	vst v63  }
0xc2: {  	_ = 	snop  }
0xc3: {  	[tilespmem:s24], [sflag:$0x2] =	stream.indirect_vreg.gather [hbm4b:s5+s2], $0x80, v4, vm0, $0xb8;
	[tilespmem:$0x18100] =	vst v63  }
0xc4: {  	_ = 	snop  }
0xc5: {  	[tilespmem:s25], [sflag:$0x2] =	stream.indirect_vreg.gather [hbm4b:s3+s2], $0x80, v3, vm0, $0xb8;
	[tilespmem:$0x18100] =	vst v63  }
0xc6: {  	_ = 	snop  }
0xc7: {  	[tilespmem:s26], [sflag:$0x2] =	stream.indirect_vreg.gather [hbm4b:s4+s2], $0x80, v3, vm0, $0xb8;
	[tilespmem:$0x18100] =	vst v63  }
0xc8: {  	_ = 	snop  }
0xc9: {  	[tilespmem:s28], [sflag:$0x2] =	stream.indirect_vreg.gather [hbm4b:s5+s2], $0x80, v3, vm0, $0xb8;
	[tilespmem:$0x18100] =	vst v63  }
0xca: {  	_ =	swait.ge [sflag:s29], $0xC000  }
0xcb: {  	[sflag:s29] =	ssyncset.done $0x0  }
0xcc: {  	s10 =	rddreg [dreg:$0x5];
	[sflag:s29] =	ssyncadd.s32 $0xFFFF4000  }
0xcd: {  	[hbm4b:s10+s2] =	stream.linear.scatter [tilespmem:s8], [sflag:$0x3], $0xC000, $0x38;
	[tilespmem:$0x18100] =	vst v63  }
0xce: {  	_ =	swait.ge [sflag:s30], $0xC000  }
0xcf: {  	[sflag:s30] =	ssyncset.done $0x0  }
0xd0: {  	s10 =	rddreg [dreg:$0x6];
	[sflag:s30] =	ssyncadd.s32 $0xFFFF4000  }
0xd1: {  	[hbm4b:s10+s2] =	stream.linear.scatter [tilespmem:s9], [sflag:$0x4], $0xC000, $0x38;
	[tilespmem:$0x18100] =	vst v63  }
0xd2: {  	p0 =	sne.s32 s6, $0x1;
	_ =	swait.ge [sflag:s31], $0xC000  }
.Ltmp0:
0xd3: {  	[sflag:s31] =	ssyncset.done $0x0;
	(pc) =	sbr.rel @p0 .LBB2_1-.Ltmp0, $4  }
0xd4: {  	[sflag:s31] =	ssyncadd.s32 $0xFFFF4000  }
0xd5: {  	_ =	swait.ge [sflag:s1], $0xC000  }
0xd6: {  	[sflag:s1] =	ssyncset.done $0x0  }
0xd7: {  	s6 =	sadd.s32 $0xFFFFFFFF, s6;
	[sflag:s1] =	ssyncadd.s32 $0xFFFF4000  }
0xd8: {  	_ =	sfence.sel $0x180000  }
0xd9: {  	[bflag:$0x0] =	sbarrier.arrive $0xFFFF  }
0xda: {  	_ =	strace $0x9000004A  }
0xdb: {  	s0 =	stileid.u32;
	[bflag:$0x2] =	sbarrier.arrive $0xFFFF  }
0xdc: {  	p0 =	sne.s32 s0, $0x0;
	s0 =	rddreg [dreg:$0x2]  }
0xdd: {  	s0 =	sadd.s32 @!p0 $0x100000, s0  }
0xde: {  	[sflag:s0] =	ssyncadd.tile.s32 @!p0 $0x1;
	_ =	shalt  }
.Lfunc_end2:
_tile_overlayer_lowered:
.L_overlay_start_2:
0xdf: {  	(tag) =	ssettag $0x2  }
0xe0: {  	s0 =	rddreg [dreg:$0x0];
	s2 =	stileid.u32  }
0xe1: {  	s1 =	rddreg [dreg:$0x1];
	p0 =	sne.s32 s2, $0x0  }
0xe2: {  	s3 =	rddreg [dreg:$0x2];
	[bflag:$0x3] =	sbarrier.arrive $0xFFFF;
	s2 =	simm.s32 @!p0 $0x1C05  }
0xe3: {  	[timem:s3], [sflag:s2] =	dma.local @!p0 [hbm:s0], s1  }
0xe4: {  	s0 =	simm.s32 @!p0 $0x5  }
0xe5: {  	_ =	swait.ge @!p0 [sflag:s0], s1  }
0xe6: {  	s1 =	ssub.s32 @!p0 $0x0, s1;
	[sflag:s0] =	ssyncset.done @!p0 $0x0  }
0xe7: {  	[sflag:s0] =	ssyncadd.s32 @!p0 s1  }
0xe8: {  	[bflag:$0x3] =	sbarrier.arrive $0xFFFF  }
0xe9: {  	_ =	shalt  }

// kernel: sc_dispatch_gather.3.cloned.1.call-start
scs
__scs_entry_jumppad:
0x0: {  	(pc) =	sbr.rel $0x88, $3  }
0x1: {  	(tag) =	ssettag $0x0;
	lr =	simm.s32 $0x1  }
0x2: {  	[smem:$0x3F99] =	sst lr;
	_ =	strace $0xD0000000  }
0x3: {  	_ = 	snop  }
0x4: {  	_ = 	snop  }
0x5: {  	_ = 	snop  }
0x6: {  	_ = 	snop  }
0x7: {  	_ = 	snop  }
__scs_overlays_trampoline_lowered:
0x8: {  	[smem:$0x3FA8] =	sst s0  }
0x9: {  	[smem:$0x3FA9] =	sst s1  }
0xa: {  	[smem:$0x3FAA] =	sst s2  }
0xb: {  	[smem:$0x3FAB] =	sst s3  }
0xc: {  	[smem:$0x3FAC] =	sst s4  }
0xd: {  	[smem:$0x3FAD] =	sst s5  }
0xe: {  	[smem:$0x3FAE] =	sst s6  }
0xf: {  	[smem:$0x3FAF] =	sst s7  }
0x10: {  	[smem:$0x3FB0] =	sst s8  }
0x11: {  	[smem:$0x3FB1] =	sst s9;
	s0 =	simm.s32 @!p0 $0x0  }
0x12: {  	s1 =	sld [smem:$0x3F97];
	s0 =	simm.s32 @p0 $0x1  }
0x13: {  	[smem:$0x3FB2] =	sst s0;
	s0 =	simm.s32 @!p1 $0x0  }
0x14: {  	s2 =	sld [smem:$0x3F96];
	s0 =	simm.s32 @p1 $0x1  }
0x15: {  	[smem:$0x3FB3] =	sst s0;
	s0 =	simm.s32 @!p2 $0x0  }
0x16: {  	s3 =	sld [smem:$0x3FDB];
	s0 =	simm.s32 @p2 $0x1  }
0x17: {  	s4 =	simm.s32 $0x1BF5;
	[smem:$0x3FB5] =	sst s0  }
0x18: {  	s0 =	sld [smem:$0x3F98];
	_ =	swait.ge [sflag:s4], $0x0  }
0x19: {  	s7 =	sld [smem:$0x3F99]  }
0x1a: {  	s8 =	sadd.s32 $0xFFFFE003, lr  }
0x1b: {  	s9 =	sadd.s32 $0xFFFFFEF7, lr;
	s5 =	simm.s32 $0xFFFFFFFF;
	p2 =	slt.u32 s8, $0xFFFFF086  }
0x1c: {  	p1 =	slt.u32 s9, $0xF7A;
	s5 =	simm.s32 @!p2 $0x0  }
0x1d: {  	s5 =	simm.s32 @p1 $0x1;
	p0 =	seq.s32 s7, s2  }
0x1e: {  	s7 =	smul.u32 @!p0 $0xF7A, s2;
	p2 =	seq.s32 @!p0 s5, $0x0  }
0x1f: {  	s9 =	smul.u32 $0xF7A, s1;
	s8 =	simm.s32 @!p0 $0x1BF5;
	p2 =	por !p2, p0  }
0x20: {  	[sflag:s8] =	ssyncset.s32 @!p0 $0xFFFFF086;
	s6 =	sadd.s32 @!p0 s3, s7;
	s7 =	simm.s32 @!p0 $0x108  }
0x21: {  	s3 =	sadd.s32 s3, s9;
	s6 =	sadd.s32 @!p0 $0x88, s6;
	s7 =	simm.s32 @p2 $0x1082  }
0x22: {  	[simem:s7], [sflag:s8] =	dma.local @!p0 [hbm:s6], $0xF7A  }
0x23: {  	s9 =	sor.u32 $0xD0000000, s2;
	s6 =	simm.s32 $0x108;
	_ =	swait.ge @!p0 [sflag:s8], $0x0  }
0x24: {  	s3 =	sadd.s32 $0x88, s3;
	s6 =	simm.s32 @!p1 $0x1082;
	[sflag:s4] =	ssyncset.s32 $0xFFFFF086  }
0x25: {  	[simem:s6], [sflag:s4] =	dma.local [hbm:s3], $0xF7A  }
0x26: {  	[smem:$0x3F99] =	sst s1;
	(tag) =	ssettag s2;
	_ =	strace s9  }
0x27: {  	s1 =	sld [smem:$0x3FA9]  }
0x28: {  	s2 =	sld [smem:$0x3FAA]  }
0x29: {  	s4 =	sld [smem:$0x3FAC]  }
0x2a: {  	p0 =	seq.s32 s5, $0x0;
	s5 =	sld [smem:$0x3FAD]  }
0x2b: {  	s6 =	sld [smem:$0x3FAE]  }
0x2c: {  	s7 =	sld [smem:$0x3FAF]  }
0x2d: {  	s3 =	simm.s32 $0x108;
	s8 =	sld [smem:$0x3FB0]  }
0x2e: {  	s3 =	simm.s32 @!p0 $0x1082;
	s9 =	sld [smem:$0x3FB1]  }
0x2f: {  	lr =	sadd.s32 s0, s3;
	s0 =	sld [smem:$0x3FA8]  }
0x30: {  	s3 =	sld [smem:$0x3FAB]  }
0x31: {  	[smem:$0x3FB4] =	sst s10  }
0x32: {  	s10 =	sld [smem:$0x3FB2];
	_ =	sdelay $0x3  }
0x33: {  	p0 =	seq.s32 s10, $0x1;
	s10 =	sld [smem:$0x3FB4];
	_ =	sdelay $0x3  }
0x34: {  	[smem:$0x3FB4] =	sst s10  }
0x35: {  	s10 =	sld [smem:$0x3FB3];
	_ =	sdelay $0x3  }
0x36: {  	p1 =	seq.s32 s10, $0x1;
	s10 =	sld [smem:$0x3FB4];
	_ =	sdelay $0x3  }
0x37: {  	[smem:$0x3FB4] =	sst s10  }
0x38: {  	s10 =	sld [smem:$0x3FB5]  }
0x39: {  	_ = 	snop;
	(pc) =	sbr.ind lr, $3  }
0x3a: {  	_ = 	snop  }
0x3b: {  	_ = 	snop  }
0x3c: {  	p2 =	seq.s32 s10, $0x1;
	s10 =	sld [smem:$0x3FB4]  }
0x3d: {  	_ =	shalt  }
0x3e: {  	_ =	shalt  }
0x3f: {  	_ =	shalt  }
0x40: {  	_ =	shalt  }
0x41: {  	_ =	shalt  }
0x42: {  	_ =	shalt  }
0x43: {  	_ =	shalt  }
0x44: {  	_ =	shalt  }
0x45: {  	_ =	shalt  }
0x46: {  	_ =	shalt  }
0x47: {  	_ =	shalt  }
0x48: {  	_ =	shalt  }
0x49: {  	_ =	shalt  }
0x4a: {  	_ =	shalt  }
0x4b: {  	_ =	shalt  }
0x4c: {  	_ =	shalt  }
0x4d: {  	_ =	shalt  }
0x4e: {  	_ =	shalt  }
0x4f: {  	_ =	shalt  }
0x50: {  	_ =	shalt  }
0x51: {  	_ =	shalt  }
0x52: {  	_ =	shalt  }
0x53: {  	_ =	shalt  }
0x54: {  	_ =	shalt  }
0x55: {  	_ =	shalt  }
0x56: {  	_ =	shalt  }
0x57: {  	_ =	shalt  }
0x58: {  	_ =	shalt  }
0x59: {  	_ =	shalt  }
0x5a: {  	_ =	shalt  }
0x5b: {  	_ =	shalt  }
0x5c: {  	_ =	shalt  }
0x5d: {  	_ =	shalt  }
0x5e: {  	_ =	shalt  }
0x5f: {  	_ =	shalt  }
0x60: {  	_ =	shalt  }
0x61: {  	_ =	shalt  }
0x62: {  	_ =	shalt  }
0x63: {  	_ =	shalt  }
0x64: {  	_ =	shalt  }
0x65: {  	_ =	shalt  }
0x66: {  	_ =	shalt  }
0x67: {  	_ =	shalt  }
0x68: {  	_ =	shalt  }
0x69: {  	_ =	shalt  }
0x6a: {  	_ =	shalt  }
0x6b: {  	_ =	shalt  }
0x6c: {  	_ =	shalt  }
0x6d: {  	_ =	shalt  }
0x6e: {  	_ =	shalt  }
0x6f: {  	_ =	shalt  }
0x70: {  	_ =	shalt  }
0x71: {  	_ =	shalt  }
0x72: {  	_ =	shalt  }
0x73: {  	_ =	shalt  }
0x74: {  	_ =	shalt  }
0x75: {  	_ =	shalt  }
0x76: {  	_ =	shalt  }
0x77: {  	_ =	shalt  }
0x78: {  	_ =	shalt  }
0x79: {  	_ =	shalt  }
0x7a: {  	_ =	shalt  }
0x7b: {  	_ =	shalt  }
0x7c: {  	_ =	shalt  }
0x7d: {  	_ =	shalt  }
0x7e: {  	_ =	shalt  }
0x7f: {  	_ =	shalt  }
0x80: {  	_ =	shalt  }
0x81: {  	_ =	shalt  }
0x82: {  	_ =	shalt  }
0x83: {  	_ =	shalt  }
0x84: {  	_ =	shalt  }
0x85: {  	_ =	shalt  }
0x86: {  	_ =	shalt  }
0x87: {  	_ =	shalt  }
.Lfunc_end0:
.L_simem_size_0:
called_computation_lowered:
.L_overlay_start_0:
0x88: {  	s2 =	sld [smem:$0x3FD9]  }
0x89: {  	s3 =	sld [smem:$0x3FFE];
	_ =	sdelay $0x1  }
0x8a: {  	s1 =	srdreg.scid  }
0x8b: {  	s0 =	sand.u32 $0x1, s1  }
0x8c: {  	s17 =	sshll.u32 s0, $0xA;
	s2 =	sadd.s32 s3, s2  }
0x8d: {  	s2 =	sadd.s32 s2, s17  }
0x8e: {  	[smem:$0x3FC0] =	sst s2  }
0x8f: {  	_ = 	snop  }
0x90: {  	s2 =	sld [smem:$0x3FD0];
	(tm) =	ssettm $0x1  }
0x91: {  	s18 =	sld [smem:$0x3FFB];
	_ =	sdelay $0x3  }
0x92: {  	_ =	strace s18  }
0x93: {  	s3 =	sld [smem:$0x3FFC];
	_ =	sdelay $0x3  }
0x94: {  	_ =	strace s3  }
0x95: {  	s3 =	sld [smem:$0x3FFD];
	_ =	sdelay $0x3  }
0x96: {  	_ =	strace s3  }
0x97: {  	_ =	strace $0x8FFFFFFF  }
0x98: {  	s19 =	sld [smem:$0x3FDB];
	_ =	sdelay $0x1  }
0x99: {  	s4 =	simm.s32 $_scs_section_size  }
0x9a: {  	s5 =	simm.s32 $_size__tile_overlayer_lowered;
	s6 =	simm.s32 $_tile_overlayer_lowered  }
0x9b: {  	s22 =	simm.s32 $0x1BFF;
	s21 =	sshll.u32 s6, $0x1;
	s3 =	sadd.s32 s4, s19  }
0x9c: {  	s7 =	simm.s32 $0x0;
	s20 =	sshll.u32 s5, $0x1;
	s5 =	sadd.s32 s21, s3  }
0x9d: {  	[timem:s7], [sflag:s22] =	dma.local [hbm:s5], s20  }
0x9e: {  	_ =	swait.ge [sflag:s22], s20  }
0x9f: {  	s4 =	ssub.s32 $0x0, s20;
	[sflag:s22] =	ssyncset.done $0x0  }
0xa0: {  	[sflag:s22] =	ssyncadd.s32 s4;
	_ =	sdelay $0x1  }
0xa1: {  	s23 =	simm.s32 $0x1B8B  }
0xa2: {  	_ =	swait.ge [sflag:s23], $0x1  }
0xa3: {  	[sflag:s23] =	ssyncset.done $0x0  }
0xa4: {  	s25 =	simm.s32 $0x1B8E;
	s24 =	sld [smem:$0x3FFE];
	[sflag:s23] =	ssyncadd.s32 $0xFFFFFFFF  }
0xa5: {  	s26 =	simm.s32 $execute0_lowered;
	[smem:$0x3FD2] =	sst s25  }
0xa6: {  	s5 =	sshll.u32 s26, $0x1;
	_ =	strace $0x80000046;
	[dreg:$0x1] =	wrdreg $0xFFFFFFFF  }
0xa7: {  	s28 =	simm.s32 $_size_execute0_lowered;
	s3 =	sadd.s32 s3, s5;
	[dreg:$0x0] =	wrdreg $0x0  }
0xa8: {  	s5 =	sshll.u32 s28, $0x1;
	[dreg:$0x2] =	wrdreg s3  }
0xa9: {  	[dreg:$0x3] =	wrdreg s5  }
0xaa: {  	[dreg:$0x4] =	wrdreg $0xC0  }
0xab: {  	_ =	task [dreg:s7], $0x5FFFF  }
0xac: {  	[dreg:$0x1] =	wrdreg $0xFFFFFFFF  }
0xad: {  	[dreg:$0x0] =	wrdreg $0x60  }
0xae: {  	[dreg:$0x2] =	wrdreg s2  }
0xaf: {  	[dreg:$0x3] =	wrdreg s24  }
0xb0: {  	[dreg:$0x4] =	wrdreg $0x9  }
0xb1: {  	_ =	task.clear_ibuf [dreg:s7], $0x5FFFF;
	_ =	strace $0x90000046  }
0xb2: {  	s29 =	simm.s32 $0x9;
	_ =	strace $0x80000048  }
0xb3: {  	_ =	swait.ge [sflag:s29], $0x1  }
0xb4: {  	[sflag:s29] =	ssyncadd.s32 $0xFFFFFFFF  }
0xb5: {  	_ =	strace $0x90000048  }
0xb6: {  	_ =	sfence  }
0xb7: {  	s30 =	sld [smem:$0x0];
	_ =	sdelay $0x2  }
0xb8: {  	s31 =	sshll.u32 s1, $0xD;
	s1 =	sshrl.u32 s1, $0x2  }
0xb9: {  	s3 =	sand.u32 $0x4000, s31;
	s1 =	sadd.s32 s1, s30  }
0xba: {  	s0 =	sor.u32 s3, s0;
	s1 =	sshll.u32 s1, $0x11  }
0xbb: {  	s0 =	sor.u32 s1, s0  }
0xbc: {  	s0 =	sadd.s32 $0x8F2B, s0  }
0xbd: {  	[sflag:s0] =	ssyncadd.remote.s32 $0x1  }
0xbe: {  	_ =	sfence.sel $0xFFFF  }
0xbf: {  	[dreg:$0x0] =	wrdreg $0xFFFFFFFF;
	(pc) =	sbr.abs _section_cstart, $3  }
0xc0: {  	[dreg:$0x1] =	wrdreg $0xFFFFFFFF  }
0xc1: {  	_ =	task.clear_ibuf [dreg:s7], $0x2FFFF;
	_ =	strace $0x9FFFFFFF  }
0xc2: {  	(tm) =	ssettm $0x7FFFFFFF  }
0xc3: {  	_ =	shalt  }
tec
execute0_lowered:
.L_overlay_start_1:
0x0: {  	(tag) =	ssettag $0x1  }
0x1: {  	s0 =	rddreg [dreg:$0x0]  }
0x2: {  	s1 =	rddreg [dreg:$0x1];
	s2 =	srdreg.scid  }
0x3: {  	s3 =	stileid.u32;
	s26 =	simm.s32 $0x80;
	s9 =	simm.s32 $0x2  }
0x4: {  	s12 =	simm.s32 $0x1900;
	s13 =	simm.s32 $0x2100;
	s14 =	simm.s32 $0x2900  }
0x5: {  	s15 =	simm.s32 $0x3100;
	s16 =	simm.s32 $0x3900;
	s17 =	simm.s32 $0x4100  }
0x6: {  	s18 =	simm.s32 $0x4900;
	s19 =	simm.s32 $0x5100;
	s20 =	simm.s32 $0x5900  }
0x7: {  	s21 =	simm.s32 $0x6100;
	s22 =	simm.s32 $0x6900;
	s23 =	simm.s32 $0x7100  }
0x8: {  	s24 =	simm.s32 $0x7900;
	s28 =	simm.s32 $0x9100;
	s29 =	simm.s32 $0x9900  }
0x9: {  	s30 =	simm.s32 $0xA100;
	s31 =	simm.s32 $0xA900;
	s4 =	sand.u32 $0x1, s2  }
0xa: {  	s2 =	simm.s32 $0x0;
	s3 =	sshll.u32 s3, $0x4;
	s5 =	sshll.u32 s4, $0x3  }
0xb: {  	[smem:$0x7FF] =	sst s2;
	s4 =	ssub.s32 $0x2, s4;
	s5 =	sor.u32 s5, s3  }
0xc: {  	_ =	strace $0x80000047;
	s3 =	sadd.s32 $0x1600, s1;
	s8 =	sshrl.u32 s4, $0x1  }
0xd: {  	[dreg:$0x6] =	wrdreg s26;
	s26 =	simm.s32 $0x8900;
	s6 =	sadd.s32 s5, s1  }
0xe: {  	s5 =	smul.u32 $0x300, s5;
	s25 =	ssub.s32 s4, s8;
	s7 =	sadd.s32 $0x1200, s6  }
0xf: {  	s4 =	sadd.s32 $0x1700, s1;
	s6 =	sadd.s32 $0x1400, s6;
	[dreg:$0x3] =	wrdreg s7  }
0x10: {  	v2 =	vlaneseq.u32;
	s8 =	simm.s32 $0xB900;
	[dreg:$0x4] =	wrdreg s6;
	s0 =	sadd.s32 s0, s5  }
0x11: {  	vm0 =	vmmov $0xffff;
	v1 =	vshrl.u32 v2, $0x3;
	s5 =	sadd.s32 $0x1800, s1;
	s6 =	smax.u32 s25, $0x1;
	s7 =	simm.s32 $0x3  }
0x12: {  	v0 =	vand.u32 $0x7, v2;
	v2 =	vor.u32 $0x8, v2;
	v1 =	vmul.u32 $0x8, v1;
	s1 =	simm.s32 $0x100;
	s25 =	simm.s32 $0x8100;
	[dreg:$0x5] =	wrdreg s0  }
.LBB2_1:
0x13: {  	s10 =	rddreg [dreg:$0x3]  }
0x14: {  	[tilespmem:s2], [sflag:$0x3] =	stream.linear.gather [hbm4b:s10+s2], $0x40, $0x38;
	[tilespmem:$0xC100] =	vst v63  }
0x15: {  	_ =	swait.ge [sflag:s7], $0x40  }
0x16: {  	s0 =	rddreg [dreg:$0x4];
	[sflag:s7] =	ssyncset.done $0x0  }
0x17: {  	s11 =	rddreg [dreg:$0x6];
	[sflag:s7] =	ssyncadd.s32 $0xFFFFFFC0  }
0x18: {  	[tilespmem:s11], [sflag:$0x3] =	stream.linear.gather [hbm4b:s0+s2], $0x40, $0x38;
	[tilespmem:$0xC100] =	vst v63  }
0x19: {  	_ =	swait.ge [sflag:s7], $0x40  }
0x1a: {  	[sflag:s7] =	ssyncset.done $0x0  }
0x1b: {  	s0 =	rddreg [dreg:$0x5];
	[sflag:s7] =	ssyncadd.s32 $0xFFFFFFC0  }
0x1c: {  	[tilespmem:s1], [sflag:$0x3] =	stream.linear.gather [hbm4b:s0+s2], $0xC000, $0x38;
	[tilespmem:$0xC100] =	vst v63  }
0x1d: {  	_ =	swait.ge [sflag:s7], $0xC000  }
0x1e: {  	[sflag:s7] =	ssyncset.done $0x0  }
0x1f: {  	[sflag:s7] =	ssyncadd.s32 $0xFFFF4000  }
0x20: {  	v3 =	vld [tilespmem:$0x0];
	_ =	sdelay $0x4  }
0x21: {  	v4 =	vshrl.u32 v3, $0x3  }
0x22: {  	v4 =	vmul.u32 $0x30, v4  }
0x23: {  	v3 =	vand.u32 $0x7, v3  }
0x24: {  	v3 =	vor.u32 v3, v4  }
0x25: {  	v4 =	vperm.xlane v3, v0;
	_ =	sdelay $0x1  }
0x26: {  	v4 =	vadd.s32 v1, v4;
	_ =	sdelay $0x3  }
0x27: {  	v3 =	vperm.xlane v3, v2  }
0x28: {  	[hbm4b:s3+s2] =	stream.indirect_vreg.scatter [tilespmem:s1], [sflag:$0x1], $0x80, v4, vm0, $0xb8;
	[tilespmem:$0xC100] =	vst v63  }
0x29: {  	s10 =	simm.s32 $0x900;
	v3 =	vadd.s32 v1, v3  }
0x2a: {  	[hbm4b:s4+s2] =	stream.indirect_vreg.scatter [tilespmem:s10], [sflag:$0x1], $0x80, v4, vm0, $0xb8;
	[tilespmem:$0xC100] =	vst v63  }
0x2b: {  	s11 =	simm.s32 $0x1100  }
0x2c: {  	[hbm4b:s5+s2] =	stream.indirect_vreg.scatter [tilespmem:s11], [sflag:$0x1], $0x80, v4, vm0, $0xb8;
	[tilespmem:$0xC100] =	vst v63  }
0x2d: {  	_ = 	snop  }
0x2e: {  	[hbm4b:s3+s2] =	stream.indirect_vreg.scatter [tilespmem:s12], [sflag:$0x1], $0x80, v3, vm0, $0xb8;
	[tilespmem:$0xC100] =	vst v63  }
0x2f: {  	_ = 	snop  }
0x30: {  	[hbm4b:s4+s2] =	stream.indirect_vreg.scatter [tilespmem:s13], [sflag:$0x1], $0x80, v3, vm0, $0xb8;
	[tilespmem:$0xC100] =	vst v63  }
0x31: {  	_ = 	snop  }
0x32: {  	[hbm4b:s5+s2] =	stream.indirect_vreg.scatter [tilespmem:s14], [sflag:$0x1], $0x80, v3, vm0, $0xb8;
	[tilespmem:$0xC100] =	vst v63  }
0x33: {  	v3 =	vld [tilespmem:$0x10];
	_ =	sdelay $0x4  }
0x34: {  	v57 =	vshrl.u32 v3, $0x3  }
0x35: {  	v4 =	vmul.u32 $0x30, v57  }
0x36: {  	v3 =	vand.u32 $0x7, v3  }
0x37: {  	v3 =	vor.u32 v3, v4  }
0x38: {  	v4 =	vperm.xlane v3, v0;
	_ =	sdelay $0x1  }
0x39: {  	v4 =	vadd.s32 v1, v4;
	_ =	sdelay $0x3  }
0x3a: {  	v3 =	vperm.xlane v3, v2  }
0x3b: {  	[hbm4b:s3+s2] =	stream.indirect_vreg.scatter [tilespmem:s15], [sflag:$0x1], $0x80, v4, vm0, $0xb8;
	[tilespmem:$0xC100] =	vst v63  }
0x3c: {  	v3 =	vadd.s32 v1, v3  }
0x3d: {  	[hbm4b:s4+s2] =	stream.indirect_vreg.scatter [tilespmem:s16], [sflag:$0x1], $0x80, v4, vm0, $0xb8;
	[tilespmem:$0xC100] =	vst v63  }
0x3e: {  	_ = 	snop  }
0x3f: {  	[hbm4b:s5+s2] =	stream.indirect_vreg.scatter [tilespmem:s17], [sflag:$0x1], $0x80, v4, vm0, $0xb8;
	[tilespmem:$0xC100] =	vst v63  }
0x40: {  	_ = 	snop  }
0x41: {  	[hbm4b:s3+s2] =	stream.indirect_vreg.scatter [tilespmem:s18], [sflag:$0x1], $0x80, v3, vm0, $0xb8;
	[tilespmem:$0xC100] =	vst v63  }
0x42: {  	_ = 	snop  }
0x43: {  	[hbm4b:s4+s2] =	stream.indirect_vreg.scatter [tilespmem:s19], [sflag:$0x1], $0x80, v3, vm0, $0xb8;
	[tilespmem:$0xC100] =	vst v63  }
0x44: {  	_ = 	snop  }
0x45: {  	[hbm4b:s5+s2] =	stream.indirect_vreg.scatter [tilespmem:s20], [sflag:$0x1], $0x80, v3, vm0, $0xb8;
	[tilespmem:$0xC100] =	vst v63  }
0x46: {  	v3 =	vld [tilespmem:$0x20];
	_ =	sdelay $0x4  }
0x47: {  	v58 =	vshrl.u32 v3, $0x3  }
0x48: {  	v4 =	vmul.u32 $0x30, v58  }
0x49: {  	v3 =	vand.u32 $0x7, v3  }
0x4a: {  	v3 =	vor.u32 v3, v4  }
0x4b: {  	v4 =	vperm.xlane v3, v0;
	_ =	sdelay $0x1  }
0x4c: {  	v4 =	vadd.s32 v1, v4;
	_ =	sdelay $0x3  }
0x4d: {  	v3 =	vperm.xlane v3, v2  }
0x4e: {  	[hbm4b:s3+s2] =	stream.indirect_vreg.scatter [tilespmem:s21], [sflag:$0x1], $0x80, v4, vm0, $0xb8;
	[tilespmem:$0xC100] =	vst v63  }
0x4f: {  	v3 =	vadd.s32 v1, v3  }
0x50: {  	[hbm4b:s4+s2] =	stream.indirect_vreg.scatter [tilespmem:s22], [sflag:$0x1], $0x80, v4, vm0, $0xb8;
	[tilespmem:$0xC100] =	vst v63  }
0x51: {  	_ = 	snop  }
0x52: {  	[hbm4b:s5+s2] =	stream.indirect_vreg.scatter [tilespmem:s23], [sflag:$0x1], $0x80, v4, vm0, $0xb8;
	[tilespmem:$0xC100] =	vst v63  }
0x53: {  	_ = 	snop  }
0x54: {  	[hbm4b:s3+s2] =	stream.indirect_vreg.scatter [tilespmem:s24], [sflag:$0x1], $0x80, v3, vm0, $0xb8;
	[tilespmem:$0xC100] =	vst v63  }
0x55: {  	_ = 	snop  }
0x56: {  	[hbm4b:s4+s2] =	stream.indirect_vreg.scatter [tilespmem:s25], [sflag:$0x1], $0x80, v3, vm0, $0xb8;
	[tilespmem:$0xC100] =	vst v63  }
0x57: {  	_ = 	snop  }
0x58: {  	[hbm4b:s5+s2] =	stream.indirect_vreg.scatter [tilespmem:s26], [sflag:$0x1], $0x80, v3, vm0, $0xb8;
	[tilespmem:$0xC100] =	vst v63  }
0x59: {  	v3 =	vld [tilespmem:$0x30];
	_ =	sdelay $0x4  }
0x5a: {  	v59 =	vshrl.u32 v3, $0x3  }
0x5b: {  	v4 =	vmul.u32 $0x30, v59  }
0x5c: {  	v3 =	vand.u32 $0x7, v3  }
0x5d: {  	v3 =	vor.u32 v3, v4  }
0x5e: {  	v4 =	vperm.xlane v3, v0;
	_ =	sdelay $0x1  }
0x5f: {  	v4 =	vadd.s32 v1, v4;
	_ =	sdelay $0x3  }
0x60: {  	v3 =	vperm.xlane v3, v2  }
0x61: {  	[hbm4b:s3+s2] =	stream.indirect_vreg.scatter [tilespmem:s28], [sflag:$0x1], $0x80, v4, vm0, $0xb8;
	[tilespmem:$0xC100] =	vst v63  }
0x62: {  	v3 =	vadd.s32 v1, v3  }
0x63: {  	[hbm4b:s4+s2] =	stream.indirect_vreg.scatter [tilespmem:s29], [sflag:$0x1], $0x80, v4, vm0, $0xb8;
	[tilespmem:$0xC100] =	vst v63  }
0x64: {  	_ = 	snop  }
0x65: {  	[hbm4b:s5+s2] =	stream.indirect_vreg.scatter [tilespmem:s30], [sflag:$0x1], $0x80, v4, vm0, $0xb8;
	[tilespmem:$0xC100] =	vst v63  }
0x66: {  	_ = 	snop  }
0x67: {  	[hbm4b:s3+s2] =	stream.indirect_vreg.scatter [tilespmem:s31], [sflag:$0x1], $0x80, v3, vm0, $0xb8;
	[tilespmem:$0xC100] =	vst v63  }
0x68: {  	s0 =	simm.s32 $0xB100  }
0x69: {  	[hbm4b:s4+s2] =	stream.indirect_vreg.scatter [tilespmem:s0], [sflag:$0x1], $0x80, v3, vm0, $0xb8;
	[tilespmem:$0xC100] =	vst v63  }
0x6a: {  	_ = 	snop  }
0x6b: {  	[hbm4b:s5+s2] =	stream.indirect_vreg.scatter [tilespmem:s8], [sflag:$0x1], $0x80, v3, vm0, $0xb8;
	[tilespmem:$0xC100] =	vst v63  }
0x6c: {  	v3 =	vld [tilespmem:$0x80];
	_ =	sdelay $0x4  }
0x6d: {  	v60 =	vshrl.u32 v3, $0x3  }
0x6e: {  	v4 =	vmul.u32 $0x30, v60  }
0x6f: {  	v3 =	vand.u32 $0x7, v3  }
0x70: {  	v3 =	vor.u32 v3, v4  }
0x71: {  	v4 =	vperm.xlane v3, v0;
	_ =	sdelay $0x1  }
0x72: {  	v4 =	vadd.s32 v1, v4;
	_ =	sdelay $0x3  }
0x73: {  	v3 =	vperm.xlane v3, v2  }
0x74: {  	[hbm4b:s3+s2] =	stream.indirect_vreg.scatter [tilespmem:s1], [sflag:$0x2], $0x80, v4, vm0, $0xb8;
	[tilespmem:$0xC100] =	vst v63  }
0x75: {  	v3 =	vadd.s32 v1, v3  }
0x76: {  	[hbm4b:s4+s2] =	stream.indirect_vreg.scatter [tilespmem:s10], [sflag:$0x2], $0x80, v4, vm0, $0xb8;
	[tilespmem:$0xC100] =	vst v63  }
0x77: {  	_ = 	snop  }
0x78: {  	[hbm4b:s5+s2] =	stream.indirect_vreg.scatter [tilespmem:s11], [sflag:$0x2], $0x80, v4, vm0, $0xb8;
	[tilespmem:$0xC100] =	vst v63  }
0x79: {  	_ = 	snop  }
0x7a: {  	[hbm4b:s3+s2] =	stream.indirect_vreg.scatter [tilespmem:s12], [sflag:$0x2], $0x80, v3, vm0, $0xb8;
	[tilespmem:$0xC100] =	vst v63  }
0x7b: {  	_ = 	snop  }
0x7c: {  	[hbm4b:s4+s2] =	stream.indirect_vreg.scatter [tilespmem:s13], [sflag:$0x2], $0x80, v3, vm0, $0xb8;
	[tilespmem:$0xC100] =	vst v63  }
0x7d: {  	_ = 	snop  }
0x7e: {  	[hbm4b:s5+s2] =	stream.indirect_vreg.scatter [tilespmem:s14], [sflag:$0x2], $0x80, v3, vm0, $0xb8;
	[tilespmem:$0xC100] =	vst v63  }
0x7f: {  	v3 =	vld [tilespmem:$0x90];
	_ =	sdelay $0x4  }
0x80: {  	v61 =	vshrl.u32 v3, $0x3  }
0x81: {  	v4 =	vmul.u32 $0x30, v61  }
0x82: {  	v3 =	vand.u32 $0x7, v3  }
0x83: {  	v3 =	vor.u32 v3, v4  }
0x84: {  	v4 =	vperm.xlane v3, v0;
	_ =	sdelay $0x1  }
0x85: {  	v4 =	vadd.s32 v1, v4;
	_ =	sdelay $0x3  }
0x86: {  	v3 =	vperm.xlane v3, v2  }
0x87: {  	[hbm4b:s3+s2] =	stream.indirect_vreg.scatter [tilespmem:s15], [sflag:$0x2], $0x80, v4, vm0, $0xb8;
	[tilespmem:$0xC100] =	vst v63  }
0x88: {  	v3 =	vadd.s32 v1, v3  }
0x89: {  	[hbm4b:s4+s2] =	stream.indirect_vreg.scatter [tilespmem:s16], [sflag:$0x2], $0x80, v4, vm0, $0xb8;
	[tilespmem:$0xC100] =	vst v63  }
0x8a: {  	_ = 	snop  }
0x8b: {  	[hbm4b:s5+s2] =	stream.indirect_vreg.scatter [tilespmem:s17], [sflag:$0x2], $0x80, v4, vm0, $0xb8;
	[tilespmem:$0xC100] =	vst v63  }
0x8c: {  	_ = 	snop  }
0x8d: {  	[hbm4b:s3+s2] =	stream.indirect_vreg.scatter [tilespmem:s18], [sflag:$0x2], $0x80, v3, vm0, $0xb8;
	[tilespmem:$0xC100] =	vst v63  }
0x8e: {  	_ = 	snop  }
0x8f: {  	[hbm4b:s4+s2] =	stream.indirect_vreg.scatter [tilespmem:s19], [sflag:$0x2], $0x80, v3, vm0, $0xb8;
	[tilespmem:$0xC100] =	vst v63  }
0x90: {  	_ = 	snop  }
0x91: {  	[hbm4b:s5+s2] =	stream.indirect_vreg.scatter [tilespmem:s20], [sflag:$0x2], $0x80, v3, vm0, $0xb8;
	[tilespmem:$0xC100] =	vst v63  }
0x92: {  	v3 =	vld [tilespmem:$0xA0];
	_ =	sdelay $0x4  }
0x93: {  	v62 =	vshrl.u32 v3, $0x3  }
0x94: {  	v4 =	vmul.u32 $0x30, v62  }
0x95: {  	v3 =	vand.u32 $0x7, v3  }
0x96: {  	v3 =	vor.u32 v3, v4  }
0x97: {  	v4 =	vperm.xlane v3, v0;
	_ =	sdelay $0x1  }
0x98: {  	v4 =	vadd.s32 v1, v4;
	_ =	sdelay $0x3  }
0x99: {  	v3 =	vperm.xlane v3, v2  }
0x9a: {  	[hbm4b:s3+s2] =	stream.indirect_vreg.scatter [tilespmem:s21], [sflag:$0x2], $0x80, v4, vm0, $0xb8;
	[tilespmem:$0xC100] =	vst v63  }
0x9b: {  	v3 =	vadd.s32 v1, v3  }
0x9c: {  	[hbm4b:s4+s2] =	stream.indirect_vreg.scatter [tilespmem:s22], [sflag:$0x2], $0x80, v4, vm0, $0xb8;
	[tilespmem:$0xC100] =	vst v63  }
0x9d: {  	_ = 	snop  }
0x9e: {  	[hbm4b:s5+s2] =	stream.indirect_vreg.scatter [tilespmem:s23], [sflag:$0x2], $0x80, v4, vm0, $0xb8;
	[tilespmem:$0xC100] =	vst v63  }
0x9f: {  	_ = 	snop  }
0xa0: {  	[hbm4b:s3+s2] =	stream.indirect_vreg.scatter [tilespmem:s24], [sflag:$0x2], $0x80, v3, vm0, $0xb8;
	[tilespmem:$0xC100] =	vst v63  }
0xa1: {  	_ = 	snop  }
0xa2: {  	[hbm4b:s4+s2] =	stream.indirect_vreg.scatter [tilespmem:s25], [sflag:$0x2], $0x80, v3, vm0, $0xb8;
	[tilespmem:$0xC100] =	vst v63  }
0xa3: {  	_ = 	snop  }
0xa4: {  	[hbm4b:s5+s2] =	stream.indirect_vreg.scatter [tilespmem:s26], [sflag:$0x2], $0x80, v3, vm0, $0xb8;
	[tilespmem:$0xC100] =	vst v63  }
0xa5: {  	v3 =	vld [tilespmem:$0xB0];
	_ =	sdelay $0x4  }
0xa6: {  	v63 =	vshrl.u32 v3, $0x3  }
0xa7: {  	v4 =	vmul.u32 $0x30, v63  }
0xa8: {  	v3 =	vand.u32 $0x7, v3  }
0xa9: {  	v3 =	vor.u32 v3, v4  }
0xaa: {  	v4 =	vperm.xlane v3, v0;
	_ =	sdelay $0x1  }
0xab: {  	v4 =	vadd.s32 v1, v4;
	_ =	sdelay $0x3  }
0xac: {  	v3 =	vperm.xlane v3, v2  }
0xad: {  	[hbm4b:s3+s2] =	stream.indirect_vreg.scatter [tilespmem:s28], [sflag:$0x2], $0x80, v4, vm0, $0xb8;
	[tilespmem:$0xC100] =	vst v63  }
0xae: {  	v3 =	vadd.s32 v1, v3  }
0xaf: {  	[hbm4b:s4+s2] =	stream.indirect_vreg.scatter [tilespmem:s29], [sflag:$0x2], $0x80, v4, vm0, $0xb8;
	[tilespmem:$0xC100] =	vst v63  }
0xb0: {  	_ = 	snop  }
0xb1: {  	[hbm4b:s5+s2] =	stream.indirect_vreg.scatter [tilespmem:s30], [sflag:$0x2], $0x80, v4, vm0, $0xb8;
	[tilespmem:$0xC100] =	vst v63  }
0xb2: {  	_ = 	snop  }
0xb3: {  	[hbm4b:s3+s2] =	stream.indirect_vreg.scatter [tilespmem:s31], [sflag:$0x2], $0x80, v3, vm0, $0xb8;
	[tilespmem:$0xC100] =	vst v63  }
0xb4: {  	_ = 	snop  }
0xb5: {  	[hbm4b:s4+s2] =	stream.indirect_vreg.scatter [tilespmem:s0], [sflag:$0x2], $0x80, v3, vm0, $0xb8;
	[tilespmem:$0xC100] =	vst v63  }
0xb6: {  	s11 =	simm.s32 $0x1  }
0xb7: {  	[hbm4b:s5+s2] =	stream.indirect_vreg.scatter [tilespmem:s8], [sflag:$0x2], $0x80, v3, vm0, $0xb8;
	[tilespmem:$0xC100] =	vst v63  }
0xb8: {  	p0 =	sne.s32 s6, $0x1;
	_ =	swait.ge [sflag:s11], $0xC000  }
.Ltmp0:
0xb9: {  	[sflag:s11] =	ssyncset.done $0x0;
	(pc) =	sbr.rel @p0 .LBB2_1-.Ltmp0, $4  }
0xba: {  	[sflag:s11] =	ssyncadd.s32 $0xFFFF4000  }
0xbb: {  	_ =	swait.ge [sflag:s9], $0xC000  }
0xbc: {  	[sflag:s9] =	ssyncset.done $0x0  }
0xbd: {  	s6 =	sadd.s32 $0xFFFFFFFF, s6;
	[sflag:s9] =	ssyncadd.s32 $0xFFFF4000  }
0xbe: {  	_ =	sfence.sel $0x180000  }
0xbf: {  	[bflag:$0x0] =	sbarrier.arrive $0xFFFF  }
0xc0: {  	_ =	strace $0x90000047  }
0xc1: {  	s0 =	stileid.u32;
	[bflag:$0x2] =	sbarrier.arrive $0xFFFF  }
0xc2: {  	p0 =	sne.s32 s0, $0x0;
	s0 =	rddreg [dreg:$0x2]  }
0xc3: {  	s0 =	sadd.s32 @!p0 $0x100000, s0  }
0xc4: {  	[sflag:s0] =	ssyncadd.tile.s32 @!p0 $0x1;
	_ =	shalt  }
.Lfunc_end2:
_tile_overlayer_lowered:
.L_overlay_start_2:
0xc5: {  	(tag) =	ssettag $0x2  }
0xc6: {  	s0 =	rddreg [dreg:$0x0];
	s2 =	stileid.u32  }
0xc7: {  	s1 =	rddreg [dreg:$0x1];
	p0 =	sne.s32 s2, $0x0  }
0xc8: {  	s3 =	rddreg [dreg:$0x2];
	[bflag:$0x3] =	sbarrier.arrive $0xFFFF;
	s2 =	simm.s32 @!p0 $0x1C03  }
0xc9: {  	[timem:s3], [sflag:s2] =	dma.local @!p0 [hbm:s0], s1  }
0xca: {  	s0 =	simm.s32 @!p0 $0x3  }
0xcb: {  	_ =	swait.ge @!p0 [sflag:s0], s1  }
0xcc: {  	s1 =	ssub.s32 @!p0 $0x0, s1;
	[sflag:s0] =	ssyncset.done @!p0 $0x0  }
0xcd: {  	[sflag:s0] =	ssyncadd.s32 @!p0 s1  }
0xce: {  	[bflag:$0x3] =	sbarrier.arrive $0xFFFF  }
0xcf: {  	_ =	shalt  }

</sc_bundles>
